<compile_context>
chip_gen: v7x
topology: tpu7x:2x2x1
jax: 0.10.2.dev20260603
libtpu: 0.0.44.dev20260713+nightly
codegen_flags: <defaults>
</compile_context>

<pallas_src>
import jax
import jax.numpy as jnp
from jax import lax
from jax.experimental import pallas as pl
from jax.experimental.pallas import tpu as pltpu
from jax.experimental.pallas import tpu_sc as plsc

NC = 2
NS = 16
L = 16
NW = NC * NS

B = 16384
D = 32
BPW = B // NW
BLOCKS = BPW // L


def _rsqrt_nr(x):
    i = plsc.bitcast(x, jnp.int32)
    i = jnp.int32(0x5F3759DF) - lax.shift_right_logical(i, 1)
    y = plsc.bitcast(i, jnp.float32)
    xh = x * jnp.float32(0.5)
    for _ in range(3):
        y = y * (jnp.float32(1.5) - xh * y * y)
    return y


def _sc_transe(node_hbm, rel_hbm, hidx_hbm, ridx_hbm, tidx_hbm, out_hbm,
               hiv, riv, tiv, hrows, rrows, trows,
               outv, s1, s2, s3):
    wid = lax.axis_index("s") * NC + lax.axis_index("c")
    base = wid * BPW

    pltpu.sync_copy(hidx_hbm.at[pl.ds(base, BPW)], hiv)
    pltpu.sync_copy(tidx_hbm.at[pl.ds(base, BPW)], tiv)
    pltpu.sync_copy(ridx_hbm.at[pl.ds(base, BPW)], riv)

    c1 = pltpu.async_copy(node_hbm.at[hiv], hrows, s1)
    c2 = pltpu.async_copy(node_hbm.at[tiv], trows, s2)
    c3 = pltpu.async_copy(rel_hbm.at[riv], rrows, s3)
    c1.wait()
    c2.wait()
    c3.wait()

    iota = lax.iota(jnp.int32, L)
    zero = jnp.zeros((L,), jnp.float32)

    def block(b, _):
        hh = tt = rr = hr = ht = rt = zero
        for i in range(L):
            ri = b * L + i
            h0 = hrows[ri, pl.ds(0, L)]
            h1 = hrows[ri, pl.ds(L, L)]
            t0 = trows[ri, pl.ds(0, L)]
            t1 = trows[ri, pl.ds(L, L)]
            r0 = rrows[ri, pl.ds(0, L)]
            r1 = rrows[ri, pl.ds(L, L)]
            lane = iota == i
            hh = jnp.where(lane, jnp.sum(h0 * h0 + h1 * h1), hh)
            tt = jnp.where(lane, jnp.sum(t0 * t0 + t1 * t1), tt)
            rr = jnp.where(lane, jnp.sum(r0 * r0 + r1 * r1), rr)
            hr = jnp.where(lane, jnp.sum(h0 * r0 + h1 * r1), hr)
            ht = jnp.where(lane, jnp.sum(h0 * t0 + h1 * t1), ht)
            rt = jnp.where(lane, jnp.sum(r0 * t0 + r1 * t1), rt)
        irh = _rsqrt_nr(jnp.maximum(hh, jnp.float32(1e-24)))
        irt = _rsqrt_nr(jnp.maximum(tt, jnp.float32(1e-24)))
        aa = hh * irh * irh
        bb = tt * irt * irt
        cross = hr * irh - ht * (irh * irt) - rt * irt
        dd = aa + bb + rr + (cross + cross)
        s = jnp.maximum(dd, jnp.float32(0.0))
        outv[pl.ds(b * L, L)] = -(s * _rsqrt_nr(jnp.maximum(s, jnp.float32(1e-30))))
        return _

    lax.fori_loop(0, BLOCKS, block, None)

    pltpu.sync_copy(outv, out_hbm.at[pl.ds(base, BPW)])


@jax.jit
def _transe_sc(node_emb, rel_emb, hidx, ridx, tidx):
    mesh = plsc.VectorSubcoreMesh(
        core_axis_name="c", subcore_axis_name="s",
        num_cores=NC, num_subcores=NS)
    f = pl.kernel(
        _sc_transe,
        out_type=jax.ShapeDtypeStruct((B,), jnp.float32),
        mesh=mesh,
        compiler_params=pltpu.CompilerParams(
            needs_layout_passes=False, use_tc_tiling_on_sc=False),
        scratch_types=[
            pltpu.VMEM((BPW,), jnp.int32),
            pltpu.VMEM((BPW,), jnp.int32),
            pltpu.VMEM((BPW,), jnp.int32),
            pltpu.VMEM((BPW, D), jnp.float32),
            pltpu.VMEM((BPW, D), jnp.float32),
            pltpu.VMEM((BPW, D), jnp.float32),
            pltpu.VMEM((BPW,), jnp.float32),
            pltpu.SemaphoreType.DMA,
            pltpu.SemaphoreType.DMA,
            pltpu.SemaphoreType.DMA,
        ],
    )
    return f(node_emb, rel_emb, hidx, ridx, tidx)


def kernel(head_index, rel_type, tail_index, node_emb, rel_emb):
    hidx = head_index.astype(jnp.int32)
    ridx = rel_type.astype(jnp.int32)
    tidx = tail_index.astype(jnp.int32)
    return _transe_sc(node_emb, rel_emb, hidx, ridx, tidx)

# --- scband reference (transcript-rebuilt; emitter-appended) ---
"""Pipeline reference for scband-trans-e-34291018892032 (READ-ONLY COPY).

The authoritative reference and input builder live on the scoring server;
editing this copy changes nothing except your own understanding.
"""

import jax, jax.numpy as jnp
import numpy as np
import math

NODE_NUM = 1000000
REL_NUM = 1000
D = 32
B = 16384


def _normalize(x, eps=1e-12):
    # F.normalize with p=2 along last dim
    n = jnp.sqrt(jnp.sum(x * x, axis=-1, keepdims=True))
    return x / jnp.clip(n, eps)


def setup_inputs(seed: int = 0) -> dict:
    key = jax.random.key(seed)
    k1, k2, k3, k4, k5 = jax.random.split(key, 5)
    head_index = jax.random.randint(k1, (B,), 0, NODE_NUM, dtype=jnp.int32).astype(jnp.int64)
    rel_type = jax.random.randint(k2, (B,), 0, REL_NUM, dtype=jnp.int32).astype(jnp.int64)
    tail_index = jax.random.randint(k3, (B,), 0, NODE_NUM, dtype=jnp.int32).astype(jnp.int64)
    bound = 6.0 / math.sqrt(D)
    node_emb = jax.random.uniform(k4, (NODE_NUM, D), minval=-bound, maxval=bound, dtype=jnp.float32)
    rel_emb = jax.random.uniform(k5, (REL_NUM, D), minval=-bound, maxval=bound, dtype=jnp.float32)
    # reset_parameters normalizes rel_emb rows with p_norm=2
    rel_emb = _normalize(rel_emb)
    return {
        "head_index": head_index,
        "rel_type": rel_type,
        "tail_index": tail_index,
        "node_emb": node_emb,
        "rel_emb": rel_emb,
    }


def reference(head_index, rel_type, tail_index, node_emb, rel_emb):
    head_emb = jnp.take(node_emb, head_index, axis=0)
    tail_emb = jnp.take(node_emb, tail_index, axis=0)
    r_emb = jnp.take(rel_emb, rel_type, axis=0)
    head_emb = _normalize(head_emb)
    tail_emb = _normalize(tail_emb)
    diff = head_emb + r_emb - tail_emb
    return -jnp.sqrt(jnp.sum(diff * diff, axis=-1))

if __name__ == "__main__":
    import jax
    _d = setup_inputs()
    print(jax.jit(kernel)(*tuple(_d.values())))

</pallas_src>

<mosaic_0001>
#map = affine_map<(d0, d1) -> (0, 0)>
#map1 = affine_map<(d0, d1) -> (0)>
module attributes {stable_mosaic.version = 14 : i64} {
  func.func @_sc_transe(%arg0: i32, %arg1: i32, %arg2: memref<1000000x32xf32, #tpu.memory_space<hbm>>, %arg3: memref<1000x32xf32, #tpu.memory_space<hbm>>, %arg4: memref<16384xi32, #tpu.memory_space<hbm>>, %arg5: memref<16384xi32, #tpu.memory_space<hbm>>, %arg6: memref<16384xi32, #tpu.memory_space<hbm>>, %arg7: memref<16384xf32, #tpu.memory_space<hbm>>, %arg8: memref<512xi32, #tpu.memory_space<vmem>>, %arg9: memref<512xi32, #tpu.memory_space<vmem>>, %arg10: memref<512xi32, #tpu.memory_space<vmem>>, %arg11: memref<512x32xf32, #tpu.memory_space<vmem>>, %arg12: memref<512x32xf32, #tpu.memory_space<vmem>>, %arg13: memref<512x32xf32, #tpu.memory_space<vmem>>, %arg14: memref<512xf32, #tpu.memory_space<vmem>>, %arg15: memref<!tpu.dma_semaphore, #tpu.memory_space<semaphore_mem>>, %arg16: memref<!tpu.dma_semaphore, #tpu.memory_space<semaphore_mem>>, %arg17: memref<!tpu.dma_semaphore, #tpu.memory_space<semaphore_mem>>) attributes {dimension_semantics = [#tpu.dimension_semantics<core_parallel>, #tpu.dimension_semantics<subcore_parallel>], iteration_bounds = array<i64: 2, 16>, scalar_prefetch = 0 : i64, scratch_operands = 10 : i64, tpu.core_type = #tpu.core_type<sc_vector_subcore>, window_params = [{transform_indices = #map}, {transform_indices = #map}, {transform_indices = #map1}, {transform_indices = #map1}, {transform_indices = #map1}, {transform_indices = #map1}]} {
    %mul3A = arith.constant 2 : i32
    %mul3A_0 = arith.muli %arg1, %mul3A : i32
    %add3A = arith.addi %mul3A_0, %arg0 : i32
    %mul3A_1 = arith.constant 512 : i32
    %mul3A_2 = arith.muli %add3A, %mul3A_1 : i32
    "tpu.region"() ({
      %run_scoped3A = tpu.sem_alloc : memref<!tpu.dma_semaphore, #tpu.memory_space<semaphore_mem>>
      %dma_start3A_24 = tpu.memref_slice %arg4[%mul3A_2] : memref<16384xi32, #tpu.memory_space<hbm>> -> memref<512xi32, #tpu.memory_space<hbm>>
      %dma_start3A_25 = tpu.memref_slice %arg4[%mul3A_2] : memref<16384xi32, #tpu.memory_space<hbm>> -> memref<512xi32, #tpu.memory_space<hbm>>
      tpu.enqueue_dma source(%dma_start3A_25 : memref<512xi32, #tpu.memory_space<hbm>>) target(%arg8 : memref<512xi32, #tpu.memory_space<vmem>>) target_semaphore(%run_scoped3A : memref<!tpu.dma_semaphore, #tpu.memory_space<semaphore_mem>>)
      %dma_wait3A_26 = tpu.memref_slice %arg4[%mul3A_2] : memref<16384xi32, #tpu.memory_space<hbm>> -> memref<512xi32, #tpu.memory_space<hbm>>
      %dma_wait3A_27 = tpu.memref_slice %arg4[%mul3A_2] : memref<16384xi32, #tpu.memory_space<hbm>> -> memref<512xi32, #tpu.memory_space<hbm>>
      tpu.wait_dma2 semaphore(%run_scoped3A : memref<!tpu.dma_semaphore, #tpu.memory_space<semaphore_mem>>) src(%dma_wait3A_27 : memref<512xi32, #tpu.memory_space<hbm>>) dst(%arg8 : memref<512xi32, #tpu.memory_space<vmem>>)
      tpu.yield
    }) : () -> ()
    "tpu.region"() ({
      %run_scoped3A = tpu.sem_alloc : memref<!tpu.dma_semaphore, #tpu.memory_space<semaphore_mem>>
      %dma_start3A_24 = tpu.memref_slice %arg6[%mul3A_2] : memref<16384xi32, #tpu.memory_space<hbm>> -> memref<512xi32, #tpu.memory_space<hbm>>
      %dma_start3A_25 = tpu.memref_slice %arg6[%mul3A_2] : memref<16384xi32, #tpu.memory_space<hbm>> -> memref<512xi32, #tpu.memory_space<hbm>>
      tpu.enqueue_dma source(%dma_start3A_25 : memref<512xi32, #tpu.memory_space<hbm>>) target(%arg10 : memref<512xi32, #tpu.memory_space<vmem>>) target_semaphore(%run_scoped3A : memref<!tpu.dma_semaphore, #tpu.memory_space<semaphore_mem>>)
      %dma_wait3A_26 = tpu.memref_slice %arg6[%mul3A_2] : memref<16384xi32, #tpu.memory_space<hbm>> -> memref<512xi32, #tpu.memory_space<hbm>>
      %dma_wait3A_27 = tpu.memref_slice %arg6[%mul3A_2] : memref<16384xi32, #tpu.memory_space<hbm>> -> memref<512xi32, #tpu.memory_space<hbm>>
      tpu.wait_dma2 semaphore(%run_scoped3A : memref<!tpu.dma_semaphore, #tpu.memory_space<semaphore_mem>>) src(%dma_wait3A_27 : memref<512xi32, #tpu.memory_space<hbm>>) dst(%arg10 : memref<512xi32, #tpu.memory_space<vmem>>)
      tpu.yield
    }) : () -> ()
    "tpu.region"() ({
      %run_scoped3A = tpu.sem_alloc : memref<!tpu.dma_semaphore, #tpu.memory_space<semaphore_mem>>
      %dma_start3A_24 = tpu.memref_slice %arg5[%mul3A_2] : memref<16384xi32, #tpu.memory_space<hbm>> -> memref<512xi32, #tpu.memory_space<hbm>>
      %dma_start3A_25 = tpu.memref_slice %arg5[%mul3A_2] : memref<16384xi32, #tpu.memory_space<hbm>> -> memref<512xi32, #tpu.memory_space<hbm>>
      tpu.enqueue_dma source(%dma_start3A_25 : memref<512xi32, #tpu.memory_space<hbm>>) target(%arg9 : memref<512xi32, #tpu.memory_space<vmem>>) target_semaphore(%run_scoped3A : memref<!tpu.dma_semaphore, #tpu.memory_space<semaphore_mem>>)
      %dma_wait3A_26 = tpu.memref_slice %arg5[%mul3A_2] : memref<16384xi32, #tpu.memory_space<hbm>> -> memref<512xi32, #tpu.memory_space<hbm>>
      %dma_wait3A_27 = tpu.memref_slice %arg5[%mul3A_2] : memref<16384xi32, #tpu.memory_space<hbm>> -> memref<512xi32, #tpu.memory_space<hbm>>
      tpu.wait_dma2 semaphore(%run_scoped3A : memref<!tpu.dma_semaphore, #tpu.memory_space<semaphore_mem>>) src(%dma_wait3A_27 : memref<512xi32, #tpu.memory_space<hbm>>) dst(%arg9 : memref<512xi32, #tpu.memory_space<vmem>>)
      tpu.yield
    }) : () -> ()
    %dma_start3A = arith.constant 0 : i32
    %dma_start3A_3 = arith.constant 0 : i32
    %dma_start3A_4 = tpu.memref_slice %arg2[%dma_start3A, %dma_start3A_3] : memref<1000000x32xf32, #tpu.memory_space<hbm>> -> memref<1000000x32xf32, #tpu.memory_space<hbm>>
    tpu.enqueue_indirect_dma source(%dma_start3A_4 : memref<1000000x32xf32, #tpu.memory_space<hbm>>) target(%arg11 : memref<512x32xf32, #tpu.memory_space<vmem>>) offsets(%arg8 : memref<512xi32, #tpu.memory_space<vmem>>) semaphore(%arg15 : memref<!tpu.dma_semaphore, #tpu.memory_space<semaphore_mem>>)
    %dma_start3A_5 = arith.constant 0 : i32
    %dma_start3A_6 = arith.constant 0 : i32
    %dma_start3A_7 = tpu.memref_slice %arg2[%dma_start3A_5, %dma_start3A_6] : memref<1000000x32xf32, #tpu.memory_space<hbm>> -> memref<1000000x32xf32, #tpu.memory_space<hbm>>
    tpu.enqueue_indirect_dma source(%dma_start3A_7 : memref<1000000x32xf32, #tpu.memory_space<hbm>>) target(%arg13 : memref<512x32xf32, #tpu.memory_space<vmem>>) offsets(%arg10 : memref<512xi32, #tpu.memory_space<vmem>>) semaphore(%arg16 : memref<!tpu.dma_semaphore, #tpu.memory_space<semaphore_mem>>)
    %dma_start3A_8 = arith.constant 0 : i32
    %dma_start3A_9 = arith.constant 0 : i32
    %dma_start3A_10 = tpu.memref_slice %arg3[%dma_start3A_8, %dma_start3A_9] : memref<1000x32xf32, #tpu.memory_space<hbm>> -> memref<1000x32xf32, #tpu.memory_space<hbm>>
    tpu.enqueue_indirect_dma source(%dma_start3A_10 : memref<1000x32xf32, #tpu.memory_space<hbm>>) target(%arg12 : memref<512x32xf32, #tpu.memory_space<vmem>>) offsets(%arg9 : memref<512xi32, #tpu.memory_space<vmem>>) semaphore(%arg17 : memref<!tpu.dma_semaphore, #tpu.memory_space<semaphore_mem>>)
    %dma_wait3A = arith.constant 0 : i32
    %dma_wait3A_11 = arith.constant 0 : i32
    %dma_wait3A_12 = tpu.memref_slice %arg2[%dma_wait3A, %dma_wait3A_11] : memref<1000000x32xf32, #tpu.memory_space<hbm>> -> memref<1000000x32xf32, #tpu.memory_space<hbm>>
    tpu.wait_indirect_dma semaphore(%arg15 : memref<!tpu.dma_semaphore, #tpu.memory_space<semaphore_mem>>) src(%dma_wait3A_12 : memref<1000000x32xf32, #tpu.memory_space<hbm>>) dst(%arg11 : memref<512x32xf32, #tpu.memory_space<vmem>>)
    %dma_wait3A_13 = arith.constant 0 : i32
    %dma_wait3A_14 = arith.constant 0 : i32
    %dma_wait3A_15 = tpu.memref_slice %arg2[%dma_wait3A_13, %dma_wait3A_14] : memref<1000000x32xf32, #tpu.memory_space<hbm>> -> memref<1000000x32xf32, #tpu.memory_space<hbm>>
    tpu.wait_indirect_dma semaphore(%arg16 : memref<!tpu.dma_semaphore, #tpu.memory_space<semaphore_mem>>) src(%dma_wait3A_15 : memref<1000000x32xf32, #tpu.memory_space<hbm>>) dst(%arg13 : memref<512x32xf32, #tpu.memory_space<vmem>>)
    %dma_wait3A_16 = arith.constant 0 : i32
    %dma_wait3A_17 = arith.constant 0 : i32
    %dma_wait3A_18 = tpu.memref_slice %arg3[%dma_wait3A_16, %dma_wait3A_17] : memref<1000x32xf32, #tpu.memory_space<hbm>> -> memref<1000x32xf32, #tpu.memory_space<hbm>>
    tpu.wait_indirect_dma semaphore(%arg17 : memref<!tpu.dma_semaphore, #tpu.memory_space<semaphore_mem>>) src(%dma_wait3A_18 : memref<1000x32xf32, #tpu.memory_space<hbm>>) dst(%arg12 : memref<512x32xf32, #tpu.memory_space<vmem>>)
    %iota3A = tpu.iota {dimensions = array<i32: 0>} : vector<16xi32>
    %broadcast_in_dim3A = arith.constant 0.000000e+00 : f32
    %broadcast_in_dim3A_19 = vector.broadcast %broadcast_in_dim3A : f32 to vector<16xf32>
    %scan3A = arith.constant 0 : i32
    %scan3A_20 = arith.constant 32 : i32
    %scan3A_21 = arith.addi %scan3A, %scan3A_20 : i32
    %scan3A_22 = arith.constant 1 : i32
    scf.for %scan3A_24 = %scan3A to %scan3A_21 step %scan3A_22  : i32 {
      %mul3A_25 = arith.constant 16 : i32
      %mul3A_26 = arith.muli %scan3A_24, %mul3A_25 : i32
      %add3A_27 = arith.constant 0 : i32
      %add3A_28 = arith.addi %mul3A_26, %add3A_27 : i32
      %get3A = arith.index_cast %add3A_28 : i32 to index
      %get3A_29 = arith.constant 0 : index
      %get3A_30 = tpu.vector_load %arg11[%get3A, %get3A_29] {strides = array<i32>} : memref<512x32xf32, #tpu.memory_space<vmem>>, vector<16xf32>,
      %get3A_31 = arith.index_cast %add3A_28 : i32 to index
      %get3A_32 = arith.constant 16 : index
      %get3A_33 = tpu.vector_load %arg11[%get3A_31, %get3A_32] {strides = array<i32>} : memref<512x32xf32, #tpu.memory_space<vmem>>, vector<16xf32>,
      %get3A_34 = arith.index_cast %add3A_28 : i32 to index
      %get3A_35 = arith.constant 0 : index
      %get3A_36 = tpu.vector_load %arg13[%get3A_34, %get3A_35] {strides = array<i32>} : memref<512x32xf32, #tpu.memory_space<vmem>>, vector<16xf32>,
      %get3A_37 = arith.index_cast %add3A_28 : i32 to index
      %get3A_38 = arith.constant 16 : index
      %get3A_39 = tpu.vector_load %arg13[%get3A_37, %get3A_38] {strides = array<i32>} : memref<512x32xf32, #tpu.memory_space<vmem>>, vector<16xf32>,
      %get3A_40 = arith.index_cast %add3A_28 : i32 to index
      %get3A_41 = arith.constant 0 : index
      %get3A_42 = tpu.vector_load %arg12[%get3A_40, %get3A_41] {strides = array<i32>} : memref<512x32xf32, #tpu.memory_space<vmem>>, vector<16xf32>,
      %get3A_43 = arith.index_cast %add3A_28 : i32 to index
      %get3A_44 = arith.constant 16 : index
      %get3A_45 = tpu.vector_load %arg12[%get3A_43, %get3A_44] {strides = array<i32>} : memref<512x32xf32, #tpu.memory_space<vmem>>, vector<16xf32>,
      %eq3A = arith.constant 0 : i32
      %eq3A_46 = vector.broadcast %eq3A : i32 to vector<16xi32>
      %eq3A_47 = arith.cmpi eq, %iota3A, %eq3A_46 : vector<16xi32>
      %mul3A_48 = arith.mulf %get3A_30, %get3A_30 : vector<16xf32>
      %mul3A_49 = arith.mulf %get3A_33, %get3A_33 : vector<16xf32>
      %add3A_50 = arith.addf %mul3A_48, %mul3A_49 : vector<16xf32>
      %reduce_sum3A = arith.constant true
      %reduce_sum3A_51 = vector.broadcast %reduce_sum3A : i1 to vector<16xi1>
      %reduce_sum3A_52 = tpu.scan <sum>, %add3A_50 masked %reduce_sum3A_51 : vector<16xf32>, vector<16xi1> -> vector<16xf32>
      %reduce_sum3A_53 = vector.extract %reduce_sum3A_52[15] : f32 from vector<16xf32>
      %broadcast_in_dim3A_54 = vector.broadcast %reduce_sum3A_53 : f32 to vector<16xf32>
      %select_n3A = arith.select %eq3A_47, %broadcast_in_dim3A_54, %broadcast_in_dim3A_19 : vector<16xi1>, vector<16xf32>
      %mul3A_55 = arith.mulf %get3A_36, %get3A_36 : vector<16xf32>
      %mul3A_56 = arith.mulf %get3A_39, %get3A_39 : vector<16xf32>
      %add3A_57 = arith.addf %mul3A_55, %mul3A_56 : vector<16xf32>
      %reduce_sum3A_58 = arith.constant true
      %reduce_sum3A_59 = vector.broadcast %reduce_sum3A_58 : i1 to vector<16xi1>
      %reduce_sum3A_60 = tpu.scan <sum>, %add3A_57 masked %reduce_sum3A_59 : vector<16xf32>, vector<16xi1> -> vector<16xf32>
      %reduce_sum3A_61 = vector.extract %reduce_sum3A_60[15] : f32 from vector<16xf32>
      %broadcast_in_dim3A_62 = vector.broadcast %reduce_sum3A_61 : f32 to vector<16xf32>
      %select_n3A_63 = arith.select %eq3A_47, %broadcast_in_dim3A_62, %broadcast_in_dim3A_19 : vector<16xi1>, vector<16xf32>
      %mul3A_64 = arith.mulf %get3A_42, %get3A_42 : vector<16xf32>
      %mul3A_65 = arith.mulf %get3A_45, %get3A_45 : vector<16xf32>
      %add3A_66 = arith.addf %mul3A_64, %mul3A_65 : vector<16xf32>
      %reduce_sum3A_67 = arith.constant true
      %reduce_sum3A_68 = vector.broadcast %reduce_sum3A_67 : i1 to vector<16xi1>
      %reduce_sum3A_69 = tpu.scan <sum>, %add3A_66 masked %reduce_sum3A_68 : vector<16xf32>, vector<16xi1> -> vector<16xf32>
      %reduce_sum3A_70 = vector.extract %reduce_sum3A_69[15] : f32 from vector<16xf32>
      %broadcast_in_dim3A_71 = vector.broadcast %reduce_sum3A_70 : f32 to vector<16xf32>
      %select_n3A_72 = arith.select %eq3A_47, %broadcast_in_dim3A_71, %broadcast_in_dim3A_19 : vector<16xi1>, vector<16xf32>
      %mul3A_73 = arith.mulf %get3A_30, %get3A_42 : vector<16xf32>
      %mul3A_74 = arith.mulf %get3A_33, %get3A_45 : vector<16xf32>
      %add3A_75 = arith.addf %mul3A_73, %mul3A_74 : vector<16xf32>
      %reduce_sum3A_76 = arith.constant true
      %reduce_sum3A_77 = vector.broadcast %reduce_sum3A_76 : i1 to vector<16xi1>
      %reduce_sum3A_78 = tpu.scan <sum>, %add3A_75 masked %reduce_sum3A_77 : vector<16xf32>, vector<16xi1> -> vector<16xf32>
      %reduce_sum3A_79 = vector.extract %reduce_sum3A_78[15] : f32 from vector<16xf32>
      %broadcast_in_dim3A_80 = vector.broadcast %reduce_sum3A_79 : f32 to vector<16xf32>
      %select_n3A_81 = arith.select %eq3A_47, %broadcast_in_dim3A_80, %broadcast_in_dim3A_19 : vector<16xi1>, vector<16xf32>
      %mul3A_82 = arith.mulf %get3A_30, %get3A_36 : vector<16xf32>
      %mul3A_83 = arith.mulf %get3A_33, %get3A_39 : vector<16xf32>
      %add3A_84 = arith.addf %mul3A_82, %mul3A_83 : vector<16xf32>
      %reduce_sum3A_85 = arith.constant true
      %reduce_sum3A_86 = vector.broadcast %reduce_sum3A_85 : i1 to vector<16xi1>
      %reduce_sum3A_87 = tpu.scan <sum>, %add3A_84 masked %reduce_sum3A_86 : vector<16xf32>, vector<16xi1> -> vector<16xf32>
      %reduce_sum3A_88 = vector.extract %reduce_sum3A_87[15] : f32 from vector<16xf32>
      %broadcast_in_dim3A_89 = vector.broadcast %reduce_sum3A_88 : f32 to vector<16xf32>
      %select_n3A_90 = arith.select %eq3A_47, %broadcast_in_dim3A_89, %broadcast_in_dim3A_19 : vector<16xi1>, vector<16xf32>
      %mul3A_91 = arith.mulf %get3A_42, %get3A_36 : vector<16xf32>
      %mul3A_92 = arith.mulf %get3A_45, %get3A_39 : vector<16xf32>
      %add3A_93 = arith.addf %mul3A_91, %mul3A_92 : vector<16xf32>
      %reduce_sum3A_94 = arith.constant true
      %reduce_sum3A_95 = vector.broadcast %reduce_sum3A_94 : i1 to vector<16xi1>
      %reduce_sum3A_96 = tpu.scan <sum>, %add3A_93 masked %reduce_sum3A_95 : vector<16xf32>, vector<16xi1> -> vector<16xf32>
      %reduce_sum3A_97 = vector.extract %reduce_sum3A_96[15] : f32 from vector<16xf32>
      %broadcast_in_dim3A_98 = vector.broadcast %reduce_sum3A_97 : f32 to vector<16xf32>
      %select_n3A_99 = arith.select %eq3A_47, %broadcast_in_dim3A_98, %broadcast_in_dim3A_19 : vector<16xi1>, vector<16xf32>
      %mul3A_100 = arith.constant 16 : i32
      %mul3A_101 = arith.muli %scan3A_24, %mul3A_100 : i32
      %add3A_102 = arith.constant 1 : i32
      %add3A_103 = arith.addi %mul3A_101, %add3A_102 : i32
      %get3A_104 = arith.index_cast %add3A_103 : i32 to index
      %get3A_105 = arith.constant 0 : index
      %get3A_106 = tpu.vector_load %arg11[%get3A_104, %get3A_105] {strides = array<i32>} : memref<512x32xf32, #tpu.memory_space<vmem>>, vector<16xf32>,
      %get3A_107 = arith.index_cast %add3A_103 : i32 to index
      %get3A_108 = arith.constant 16 : index
      %get3A_109 = tpu.vector_load %arg11[%get3A_107, %get3A_108] {strides = array<i32>} : memref<512x32xf32, #tpu.memory_space<vmem>>, vector<16xf32>,
      %get3A_110 = arith.index_cast %add3A_103 : i32 to index
      %get3A_111 = arith.constant 0 : index
      %get3A_112 = tpu.vector_load %arg13[%get3A_110, %get3A_111] {strides = array<i32>} : memref<512x32xf32, #tpu.memory_space<vmem>>, vector<16xf32>,
      %get3A_113 = arith.index_cast %add3A_103 : i32 to index
      %get3A_114 = arith.constant 16 : index
      %get3A_115 = tpu.vector_load %arg13[%get3A_113, %get3A_114] {strides = array<i32>} : memref<512x32xf32, #tpu.memory_space<vmem>>, vector<16xf32>,
      %get3A_116 = arith.index_cast %add3A_103 : i32 to index
      %get3A_117 = arith.constant 0 : index
      %get3A_118 = tpu.vector_load %arg12[%get3A_116, %get3A_117] {strides = array<i32>} : memref<512x32xf32, #tpu.memory_space<vmem>>, vector<16xf32>,
      %get3A_119 = arith.index_cast %add3A_103 : i32 to index
      %get3A_120 = arith.constant 16 : index
      %get3A_121 = tpu.vector_load %arg12[%get3A_119, %get3A_120] {strides = array<i32>} : memref<512x32xf32, #tpu.memory_space<vmem>>, vector<16xf32>,
      %eq3A_122 = arith.constant 1 : i32
      %eq3A_123 = vector.broadcast %eq3A_122 : i32 to vector<16xi32>
      %eq3A_124 = arith.cmpi eq, %iota3A, %eq3A_123 : vector<16xi32>
      %mul3A_125 = arith.mulf %get3A_106, %get3A_106 : vector<16xf32>
      %mul3A_126 = arith.mulf %get3A_109, %get3A_109 : vector<16xf32>
      %add3A_127 = arith.addf %mul3A_125, %mul3A_126 : vector<16xf32>
      %reduce_sum3A_128 = arith.constant true
      %reduce_sum3A_129 = vector.broadcast %reduce_sum3A_128 : i1 to vector<16xi1>
      %reduce_sum3A_130 = tpu.scan <sum>, %add3A_127 masked %reduce_sum3A_129 : vector<16xf32>, vector<16xi1> -> vector<16xf32>
      %reduce_sum3A_131 = vector.extract %reduce_sum3A_130[15] : f32 from vector<16xf32>
      %broadcast_in_dim3A_132 = vector.broadcast %reduce_sum3A_131 : f32 to vector<16xf32>
      %select_n3A_133 = arith.select %eq3A_124, %broadcast_in_dim3A_132, %select_n3A : vector<16xi1>, vector<16xf32>
      %mul3A_134 = arith.mulf %get3A_112, %get3A_112 : vector<16xf32>
      %mul3A_135 = arith.mulf %get3A_115, %get3A_115 : vector<16xf32>
      %add3A_136 = arith.addf %mul3A_134, %mul3A_135 : vector<16xf32>
      %reduce_sum3A_137 = arith.constant true
      %reduce_sum3A_138 = vector.broadcast %reduce_sum3A_137 : i1 to vector<16xi1>
      %reduce_sum3A_139 = tpu.scan <sum>, %add3A_136 masked %reduce_sum3A_138 : vector<16xf32>, vector<16xi1> -> vector<16xf32>
      %reduce_sum3A_140 = vector.extract %reduce_sum3A_139[15] : f32 from vector<16xf32>
      %broadcast_in_dim3A_141 = vector.broadcast %reduce_sum3A_140 : f32 to vector<16xf32>
      %select_n3A_142 = arith.select %eq3A_124, %broadcast_in_dim3A_141, %select_n3A_63 : vector<16xi1>, vector<16xf32>
      %mul3A_143 = arith.mulf %get3A_118, %get3A_118 : vector<16xf32>
      %mul3A_144 = arith.mulf %get3A_121, %get3A_121 : vector<16xf32>
      %add3A_145 = arith.addf %mul3A_143, %mul3A_144 : vector<16xf32>
      %reduce_sum3A_146 = arith.constant true
      %reduce_sum3A_147 = vector.broadcast %reduce_sum3A_146 : i1 to vector<16xi1>
      %reduce_sum3A_148 = tpu.scan <sum>, %add3A_145 masked %reduce_sum3A_147 : vector<16xf32>, vector<16xi1> -> vector<16xf32>
      %reduce_sum3A_149 = vector.extract %reduce_sum3A_148[15] : f32 from vector<16xf32>
      %broadcast_in_dim3A_150 = vector.broadcast %reduce_sum3A_149 : f32 to vector<16xf32>
      %select_n3A_151 = arith.select %eq3A_124, %broadcast_in_dim3A_150, %select_n3A_72 : vector<16xi1>, vector<16xf32>
      %mul3A_152 = arith.mulf %get3A_106, %get3A_118 : vector<16xf32>
      %mul3A_153 = arith.mulf %get3A_109, %get3A_121 : vector<16xf32>
      %add3A_154 = arith.addf %mul3A_152, %mul3A_153 : vector<16xf32>
      %reduce_sum3A_155 = arith.constant true
      %reduce_sum3A_156 = vector.broadcast %reduce_sum3A_155 : i1 to vector<16xi1>
      %reduce_sum3A_157 = tpu.scan <sum>, %add3A_154 masked %reduce_sum3A_156 : vector<16xf32>, vector<16xi1> -> vector<16xf32>
      %reduce_sum3A_158 = vector.extract %reduce_sum3A_157[15] : f32 from vector<16xf32>
      %broadcast_in_dim3A_159 = vector.broadcast %reduce_sum3A_158 : f32 to vector<16xf32>
      %select_n3A_160 = arith.select %eq3A_124, %broadcast_in_dim3A_159, %select_n3A_81 : vector<16xi1>, vector<16xf32>
      %mul3A_161 = arith.mulf %get3A_106, %get3A_112 : vector<16xf32>
      %mul3A_162 = arith.mulf %get3A_109, %get3A_115 : vector<16xf32>
      %add3A_163 = arith.addf %mul3A_161, %mul3A_162 : vector<16xf32>
      %reduce_sum3A_164 = arith.constant true
      %reduce_sum3A_165 = vector.broadcast %reduce_sum3A_164 : i1 to vector<16xi1>
      %reduce_sum3A_166 = tpu.scan <sum>, %add3A_163 masked %reduce_sum3A_165 : vector<16xf32>, vector<16xi1> -> vector<16xf32>
      %reduce_sum3A_167 = vector.extract %reduce_sum3A_166[15] : f32 from vector<16xf32>
      %broadcast_in_dim3A_168 = vector.broadcast %reduce_sum3A_167 : f32 to vector<16xf32>
      %select_n3A_169 = arith.select %eq3A_124, %broadcast_in_dim3A_168, %select_n3A_90 : vector<16xi1>, vector<16xf32>
      %mul3A_170 = arith.mulf %get3A_118, %get3A_112 : vector<16xf32>
      %mul3A_171 = arith.mulf %get3A_121, %get3A_115 : vector<16xf32>
      %add3A_172 = arith.addf %mul3A_170, %mul3A_171 : vector<16xf32>
      %reduce_sum3A_173 = arith.constant true
      %reduce_sum3A_174 = vector.broadcast %reduce_sum3A_173 : i1 to vector<16xi1>
      %reduce_sum3A_175 = tpu.scan <sum>, %add3A_172 masked %reduce_sum3A_174 : vector<16xf32>, vector<16xi1> -> vector<16xf32>
      %reduce_sum3A_176 = vector.extract %reduce_sum3A_175[15] : f32 from vector<16xf32>
      %broadcast_in_dim3A_177 = vector.broadcast %reduce_sum3A_176 : f32 to vector<16xf32>
      %select_n3A_178 = arith.select %eq3A_124, %broadcast_in_dim3A_177, %select_n3A_99 : vector<16xi1>, vector<16xf32>
      %mul3A_179 = arith.constant 16 : i32
      %mul3A_180 = arith.muli %scan3A_24, %mul3A_179 : i32
      %add3A_181 = arith.constant 2 : i32
      %add3A_182 = arith.addi %mul3A_180, %add3A_181 : i32
      %get3A_183 = arith.index_cast %add3A_182 : i32 to index
      %get3A_184 = arith.constant 0 : index
      %get3A_185 = tpu.vector_load %arg11[%get3A_183, %get3A_184] {strides = array<i32>} : memref<512x32xf32, #tpu.memory_space<vmem>>, vector<16xf32>,
      %get3A_186 = arith.index_cast %add3A_182 : i32 to index
      %get3A_187 = arith.constant 16 : index
      %get3A_188 = tpu.vector_load %arg11[%get3A_186, %get3A_187] {strides = array<i32>} : memref<512x32xf32, #tpu.memory_space<vmem>>, vector<16xf32>,
      %get3A_189 = arith.index_cast %add3A_182 : i32 to index
      %get3A_190 = arith.constant 0 : index
      %get3A_191 = tpu.vector_load %arg13[%get3A_189, %get3A_190] {strides = array<i32>} : memref<512x32xf32, #tpu.memory_space<vmem>>, vector<16xf32>,
      %get3A_192 = arith.index_cast %add3A_182 : i32 to index
      %get3A_193 = arith.constant 16 : index
      %get3A_194 = tpu.vector_load %arg13[%get3A_192, %get3A_193] {strides = array<i32>} : memref<512x32xf32, #tpu.memory_space<vmem>>, vector<16xf32>,
      %get3A_195 = arith.index_cast %add3A_182 : i32 to index
      %get3A_196 = arith.constant 0 : index
      %get3A_197 = tpu.vector_load %arg12[%get3A_195, %get3A_196] {strides = array<i32>} : memref<512x32xf32, #tpu.memory_space<vmem>>, vector<16xf32>,
      %get3A_198 = arith.index_cast %add3A_182 : i32 to index
      %get3A_199 = arith.constant 16 : index
      %get3A_200 = tpu.vector_load %arg12[%get3A_198, %get3A_199] {strides = array<i32>} : memref<512x32xf32, #tpu.memory_space<vmem>>, vector<16xf32>,
      %eq3A_201 = arith.constant 2 : i32
      %eq3A_202 = vector.broadcast %eq3A_201 : i32 to vector<16xi32>
      %eq3A_203 = arith.cmpi eq, %iota3A, %eq3A_202 : vector<16xi32>
      %mul3A_204 = arith.mulf %get3A_185, %get3A_185 : vector<16xf32>
      %mul3A_205 = arith.mulf %get3A_188, %get3A_188 : vector<16xf32>
      %add3A_206 = arith.addf %mul3A_204, %mul3A_205 : vector<16xf32>
      %reduce_sum3A_207 = arith.constant true
      %reduce_sum3A_208 = vector.broadcast %reduce_sum3A_207 : i1 to vector<16xi1>
      %reduce_sum3A_209 = tpu.scan <sum>, %add3A_206 masked %reduce_sum3A_208 : vector<16xf32>, vector<16xi1> -> vector<16xf32>
      %reduce_sum3A_210 = vector.extract %reduce_sum3A_209[15] : f32 from vector<16xf32>
      %broadcast_in_dim3A_211 = vector.broadcast %reduce_sum3A_210 : f32 to vector<16xf32>
      %select_n3A_212 = arith.select %eq3A_203, %broadcast_in_dim3A_211, %select_n3A_133 : vector<16xi1>, vector<16xf32>
      %mul3A_213 = arith.mulf %get3A_191, %get3A_191 : vector<16xf32>
      %mul3A_214 = arith.mulf %get3A_194, %get3A_194 : vector<16xf32>
      %add3A_215 = arith.addf %mul3A_213, %mul3A_214 : vector<16xf32>
      %reduce_sum3A_216 = arith.constant true
      %reduce_sum3A_217 = vector.broadcast %reduce_sum3A_216 : i1 to vector<16xi1>
      %reduce_sum3A_218 = tpu.scan <sum>, %add3A_215 masked %reduce_sum3A_217 : vector<16xf32>, vector<16xi1> -> vector<16xf32>
      %reduce_sum3A_219 = vector.extract %reduce_sum3A_218[15] : f32 from vector<16xf32>
      %broadcast_in_dim3A_220 = vector.broadcast %reduce_sum3A_219 : f32 to vector<16xf32>
      %select_n3A_221 = arith.select %eq3A_203, %broadcast_in_dim3A_220, %select_n3A_142 : vector<16xi1>, vector<16xf32>
      %mul3A_222 = arith.mulf %get3A_197, %get3A_197 : vector<16xf32>
      %mul3A_223 = arith.mulf %get3A_200, %get3A_200 : vector<16xf32>
      %add3A_224 = arith.addf %mul3A_222, %mul3A_223 : vector<16xf32>
      %reduce_sum3A_225 = arith.constant true
      %reduce_sum3A_226 = vector.broadcast %reduce_sum3A_225 : i1 to vector<16xi1>
      %reduce_sum3A_227 = tpu.scan <sum>, %add3A_224 masked %reduce_sum3A_226 : vector<16xf32>, vector<16xi1> -> vector<16xf32>
      %reduce_sum3A_228 = vector.extract %reduce_sum3A_227[15] : f32 from vector<16xf32>
      %broadcast_in_dim3A_229 = vector.broadcast %reduce_sum3A_228 : f32 to vector<16xf32>
      %select_n3A_230 = arith.select %eq3A_203, %broadcast_in_dim3A_229, %select_n3A_151 : vector<16xi1>, vector<16xf32>
      %mul3A_231 = arith.mulf %get3A_185, %get3A_197 : vector<16xf32>
      %mul3A_232 = arith.mulf %get3A_188, %get3A_200 : vector<16xf32>
      %add3A_233 = arith.addf %mul3A_231, %mul3A_232 : vector<16xf32>
      %reduce_sum3A_234 = arith.constant true
      %reduce_sum3A_235 = vector.broadcast %reduce_sum3A_234 : i1 to vector<16xi1>
      %reduce_sum3A_236 = tpu.scan <sum>, %add3A_233 masked %reduce_sum3A_235 : vector<16xf32>, vector<16xi1> -> vector<16xf32>
      %reduce_sum3A_237 = vector.extract %reduce_sum3A_236[15] : f32 from vector<16xf32>
      %broadcast_in_dim3A_238 = vector.broadcast %reduce_sum3A_237 : f32 to vector<16xf32>
      %select_n3A_239 = arith.select %eq3A_203, %broadcast_in_dim3A_238, %select_n3A_160 : vector<16xi1>, vector<16xf32>
      %mul3A_240 = arith.mulf %get3A_185, %get3A_191 : vector<16xf32>
      %mul3A_241 = arith.mulf %get3A_188, %get3A_194 : vector<16xf32>
      %add3A_242 = arith.addf %mul3A_240, %mul3A_241 : vector<16xf32>
      %reduce_sum3A_243 = arith.constant true
      %reduce_sum3A_244 = vector.broadcast %reduce_sum3A_243 : i1 to vector<16xi1>
      %reduce_sum3A_245 = tpu.scan <sum>, %add3A_242 masked %reduce_sum3A_244 : vector<16xf32>, vector<16xi1> -> vector<16xf32>
      %reduce_sum3A_246 = vector.extract %reduce_sum3A_245[15] : f32 from vector<16xf32>
      %broadcast_in_dim3A_247 = vector.broadcast %reduce_sum3A_246 : f32 to vector<16xf32>
      %select_n3A_248 = arith.select %eq3A_203, %broadcast_in_dim3A_247, %select_n3A_169 : vector<16xi1>, vector<16xf32>
      %mul3A_249 = arith.mulf %get3A_197, %get3A_191 : vector<16xf32>
      %mul3A_250 = arith.mulf %get3A_200, %get3A_194 : vector<16xf32>
      %add3A_251 = arith.addf %mul3A_249, %mul3A_250 : vector<16xf32>
      %reduce_sum3A_252 = arith.constant true
      %reduce_sum3A_253 = vector.broadcast %reduce_sum3A_252 : i1 to vector<16xi1>
      %reduce_sum3A_254 = tpu.scan <sum>, %add3A_251 masked %reduce_sum3A_253 : vector<16xf32>, vector<16xi1> -> vector<16xf32>
      %reduce_sum3A_255 = vector.extract %reduce_sum3A_254[15] : f32 from vector<16xf32>
      %broadcast_in_dim3A_256 = vector.broadcast %reduce_sum3A_255 : f32 to vector<16xf32>
      %select_n3A_257 = arith.select %eq3A_203, %broadcast_in_dim3A_256, %select_n3A_178 : vector<16xi1>, vector<16xf32>
      %mul3A_258 = arith.constant 16 : i32
      %mul3A_259 = arith.muli %scan3A_24, %mul3A_258 : i32
      %add3A_260 = arith.constant 3 : i32
      %add3A_261 = arith.addi %mul3A_259, %add3A_260 : i32
      %get3A_262 = arith.index_cast %add3A_261 : i32 to index
      %get3A_263 = arith.constant 0 : index
      %get3A_264 = tpu.vector_load %arg11[%get3A_262, %get3A_263] {strides = array<i32>} : memref<512x32xf32, #tpu.memory_space<vmem>>, vector<16xf32>,
      %get3A_265 = arith.index_cast %add3A_261 : i32 to index
      %get3A_266 = arith.constant 16 : index
      %get3A_267 = tpu.vector_load %arg11[%get3A_265, %get3A_266] {strides = array<i32>} : memref<512x32xf32, #tpu.memory_space<vmem>>, vector<16xf32>,
      %get3A_268 = arith.index_cast %add3A_261 : i32 to index
      %get3A_269 = arith.constant 0 : index
      %get3A_270 = tpu.vector_load %arg13[%get3A_268, %get3A_269] {strides = array<i32>} : memref<512x32xf32, #tpu.memory_space<vmem>>, vector<16xf32>,
      %get3A_271 = arith.index_cast %add3A_261 : i32 to index
      %get3A_272 = arith.constant 16 : index
      %get3A_273 = tpu.vector_load %arg13[%get3A_271, %get3A_272] {strides = array<i32>} : memref<512x32xf32, #tpu.memory_space<vmem>>, vector<16xf32>,
      %get3A_274 = arith.index_cast %add3A_261 : i32 to index
      %get3A_275 = arith.constant 0 : index
      %get3A_276 = tpu.vector_load %arg12[%get3A_274, %get3A_275] {strides = array<i32>} : memref<512x32xf32, #tpu.memory_space<vmem>>, vector<16xf32>,
      %get3A_277 = arith.index_cast %add3A_261 : i32 to index
      %get3A_278 = arith.constant 16 : index
      %get3A_279 = tpu.vector_load %arg12[%get3A_277, %get3A_278] {strides = array<i32>} : memref<512x32xf32, #tpu.memory_space<vmem>>, vector<16xf32>,
      %eq3A_280 = arith.constant 3 : i32
      %eq3A_281 = vector.broadcast %eq3A_280 : i32 to vector<16xi32>
      %eq3A_282 = arith.cmpi eq, %iota3A, %eq3A_281 : vector<16xi32>
      %mul3A_283 = arith.mulf %get3A_264, %get3A_264 : vector<16xf32>
      %mul3A_284 = arith.mulf %get3A_267, %get3A_267 : vector<16xf32>
      %add3A_285 = arith.addf %mul3A_283, %mul3A_284 : vector<16xf32>
      %reduce_sum3A_286 = arith.constant true
      %reduce_sum3A_287 = vector.broadcast %reduce_sum3A_286 : i1 to vector<16xi1>
      %reduce_sum3A_288 = tpu.scan <sum>, %add3A_285 masked %reduce_sum3A_287 : vector<16xf32>, vector<16xi1> -> vector<16xf32>
      %reduce_sum3A_289 = vector.extract %reduce_sum3A_288[15] : f32 from vector<16xf32>
      %broadcast_in_dim3A_290 = vector.broadcast %reduce_sum3A_289 : f32 to vector<16xf32>
      %select_n3A_291 = arith.select %eq3A_282, %broadcast_in_dim3A_290, %select_n3A_212 : vector<16xi1>, vector<16xf32>
      %mul3A_292 = arith.mulf %get3A_270, %get3A_270 : vector<16xf32>
      %mul3A_293 = arith.mulf %get3A_273, %get3A_273 : vector<16xf32>
      %add3A_294 = arith.addf %mul3A_292, %mul3A_293 : vector<16xf32>
      %reduce_sum3A_295 = arith.constant true
      %reduce_sum3A_296 = vector.broadcast %reduce_sum3A_295 : i1 to vector<16xi1>
      %reduce_sum3A_297 = tpu.scan <sum>, %add3A_294 masked %reduce_sum3A_296 : vector<16xf32>, vector<16xi1> -> vector<16xf32>
      %reduce_sum3A_298 = vector.extract %reduce_sum3A_297[15] : f32 from vector<16xf32>
      %broadcast_in_dim3A_299 = vector.broadcast %reduce_sum3A_298 : f32 to vector<16xf32>
      %select_n3A_300 = arith.select %eq3A_282, %broadcast_in_dim3A_299, %select_n3A_221 : vector<16xi1>, vector<16xf32>
      %mul3A_301 = arith.mulf %get3A_276, %get3A_276 : vector<16xf32>
      %mul3A_302 = arith.mulf %get3A_279, %get3A_279 : vector<16xf32>
      %add3A_303 = arith.addf %mul3A_301, %mul3A_302 : vector<16xf32>
      %reduce_sum3A_304 = arith.constant true
      %reduce_sum3A_305 = vector.broadcast %reduce_sum3A_304 : i1 to vector<16xi1>
      %reduce_sum3A_306 = tpu.scan <sum>, %add3A_303 masked %reduce_sum3A_305 : vector<16xf32>, vector<16xi1> -> vector<16xf32>
      %reduce_sum3A_307 = vector.extract %reduce_sum3A_306[15] : f32 from vector<16xf32>
      %broadcast_in_dim3A_308 = vector.broadcast %reduce_sum3A_307 : f32 to vector<16xf32>
      %select_n3A_309 = arith.select %eq3A_282, %broadcast_in_dim3A_308, %select_n3A_230 : vector<16xi1>, vector<16xf32>
      %mul3A_310 = arith.mulf %get3A_264, %get3A_276 : vector<16xf32>
      %mul3A_311 = arith.mulf %get3A_267, %get3A_279 : vector<16xf32>
      %add3A_312 = arith.addf %mul3A_310, %mul3A_311 : vector<16xf32>
      %reduce_sum3A_313 = arith.constant true
      %reduce_sum3A_314 = vector.broadcast %reduce_sum3A_313 : i1 to vector<16xi1>
      %reduce_sum3A_315 = tpu.scan <sum>, %add3A_312 masked %reduce_sum3A_314 : vector<16xf32>, vector<16xi1> -> vector<16xf32>
      %reduce_sum3A_316 = vector.extract %reduce_sum3A_315[15] : f32 from vector<16xf32>
      %broadcast_in_dim3A_317 = vector.broadcast %reduce_sum3A_316 : f32 to vector<16xf32>
      %select_n3A_318 = arith.select %eq3A_282, %broadcast_in_dim3A_317, %select_n3A_239 : vector<16xi1>, vector<16xf32>
      %mul3A_319 = arith.mulf %get3A_264, %get3A_270 : vector<16xf32>
      %mul3A_320 = arith.mulf %get3A_267, %get3A_273 : vector<16xf32>
      %add3A_321 = arith.addf %mul3A_319, %mul3A_320 : vector<16xf32>
      %reduce_sum3A_322 = arith.constant true
      %reduce_sum3A_323 = vector.broadcast %reduce_sum3A_322 : i1 to vector<16xi1>
      %reduce_sum3A_324 = tpu.scan <sum>, %add3A_321 masked %reduce_sum3A_323 : vector<16xf32>, vector<16xi1> -> vector<16xf32>
      %reduce_sum3A_325 = vector.extract %reduce_sum3A_324[15] : f32 from vector<16xf32>
      %broadcast_in_dim3A_326 = vector.broadcast %reduce_sum3A_325 : f32 to vector<16xf32>
      %select_n3A_327 = arith.select %eq3A_282, %broadcast_in_dim3A_326, %select_n3A_248 : vector<16xi1>, vector<16xf32>
      %mul3A_328 = arith.mulf %get3A_276, %get3A_270 : vector<16xf32>
      %mul3A_329 = arith.mulf %get3A_279, %get3A_273 : vector<16xf32>
      %add3A_330 = arith.addf %mul3A_328, %mul3A_329 : vector<16xf32>
      %reduce_sum3A_331 = arith.constant true
      %reduce_sum3A_332 = vector.broadcast %reduce_sum3A_331 : i1 to vector<16xi1>
      %reduce_sum3A_333 = tpu.scan <sum>, %add3A_330 masked %reduce_sum3A_332 : vector<16xf32>, vector<16xi1> -> vector<16xf32>
      %reduce_sum3A_334 = vector.extract %reduce_sum3A_333[15] : f32 from vector<16xf32>
      %broadcast_in_dim3A_335 = vector.broadcast %reduce_sum3A_334 : f32 to vector<16xf32>
      %select_n3A_336 = arith.select %eq3A_282, %broadcast_in_dim3A_335, %select_n3A_257 : vector<16xi1>, vector<16xf32>
      %mul3A_337 = arith.constant 16 : i32
      %mul3A_338 = arith.muli %scan3A_24, %mul3A_337 : i32
      %add3A_339 = arith.constant 4 : i32
      %add3A_340 = arith.addi %mul3A_338, %add3A_339 : i32
      %get3A_341 = arith.index_cast %add3A_340 : i32 to index
      %get3A_342 = arith.constant 0 : index
      %get3A_343 = tpu.vector_load %arg11[%get3A_341, %get3A_342] {strides = array<i32>} : memref<512x32xf32, #tpu.memory_space<vmem>>, vector<16xf32>,
      %get3A_344 = arith.index_cast %add3A_340 : i32 to index
      %get3A_345 = arith.constant 16 : index
      %get3A_346 = tpu.vector_load %arg11[%get3A_344, %get3A_345] {strides = array<i32>} : memref<512x32xf32, #tpu.memory_space<vmem>>, vector<16xf32>,
      %get3A_347 = arith.index_cast %add3A_340 : i32 to index
      %get3A_348 = arith.constant 0 : index
      %get3A_349 = tpu.vector_load %arg13[%get3A_347, %get3A_348] {strides = array<i32>} : memref<512x32xf32, #tpu.memory_space<vmem>>, vector<16xf32>,
      %get3A_350 = arith.index_cast %add3A_340 : i32 to index
      %get3A_351 = arith.constant 16 : index
      %get3A_352 = tpu.vector_load %arg13[%get3A_350, %get3A_351] {strides = array<i32>} : memref<512x32xf32, #tpu.memory_space<vmem>>, vector<16xf32>,
      %get3A_353 = arith.index_cast %add3A_340 : i32 to index
      %get3A_354 = arith.constant 0 : index
      %get3A_355 = tpu.vector_load %arg12[%get3A_353, %get3A_354] {strides = array<i32>} : memref<512x32xf32, #tpu.memory_space<vmem>>, vector<16xf32>,
      %get3A_356 = arith.index_cast %add3A_340 : i32 to index
      %get3A_357 = arith.constant 16 : index
      %get3A_358 = tpu.vector_load %arg12[%get3A_356, %get3A_357] {strides = array<i32>} : memref<512x32xf32, #tpu.memory_space<vmem>>, vector<16xf32>,
      %eq3A_359 = arith.constant 4 : i32
      %eq3A_360 = vector.broadcast %eq3A_359 : i32 to vector<16xi32>
      %eq3A_361 = arith.cmpi eq, %iota3A, %eq3A_360 : vector<16xi32>
      %mul3A_362 = arith.mulf %get3A_343, %get3A_343 : vector<16xf32>
      %mul3A_363 = arith.mulf %get3A_346, %get3A_346 : vector<16xf32>
      %add3A_364 = arith.addf %mul3A_362, %mul3A_363 : vector<16xf32>
      %reduce_sum3A_365 = arith.constant true
      %reduce_sum3A_366 = vector.broadcast %reduce_sum3A_365 : i1 to vector<16xi1>
      %reduce_sum3A_367 = tpu.scan <sum>, %add3A_364 masked %reduce_sum3A_366 : vector<16xf32>, vector<16xi1> -> vector<16xf32>
      %reduce_sum3A_368 = vector.extract %reduce_sum3A_367[15] : f32 from vector<16xf32>
      %broadcast_in_dim3A_369 = vector.broadcast %reduce_sum3A_368 : f32 to vector<16xf32>
      %select_n3A_370 = arith.select %eq3A_361, %broadcast_in_dim3A_369, %select_n3A_291 : vector<16xi1>, vector<16xf32>
      %mul3A_371 = arith.mulf %get3A_349, %get3A_349 : vector<16xf32>
      %mul3A_372 = arith.mulf %get3A_352, %get3A_352 : vector<16xf32>
      %add3A_373 = arith.addf %mul3A_371, %mul3A_372 : vector<16xf32>
      %reduce_sum3A_374 = arith.constant true
      %reduce_sum3A_375 = vector.broadcast %reduce_sum3A_374 : i1 to vector<16xi1>
      %reduce_sum3A_376 = tpu.scan <sum>, %add3A_373 masked %reduce_sum3A_375 : vector<16xf32>, vector<16xi1> -> vector<16xf32>
      %reduce_sum3A_377 = vector.extract %reduce_sum3A_376[15] : f32 from vector<16xf32>
      %broadcast_in_dim3A_378 = vector.broadcast %reduce_sum3A_377 : f32 to vector<16xf32>
      %select_n3A_379 = arith.select %eq3A_361, %broadcast_in_dim3A_378, %select_n3A_300 : vector<16xi1>, vector<16xf32>
      %mul3A_380 = arith.mulf %get3A_355, %get3A_355 : vector<16xf32>
      %mul3A_381 = arith.mulf %get3A_358, %get3A_358 : vector<16xf32>
      %add3A_382 = arith.addf %mul3A_380, %mul3A_381 : vector<16xf32>
      %reduce_sum3A_383 = arith.constant true
      %reduce_sum3A_384 = vector.broadcast %reduce_sum3A_383 : i1 to vector<16xi1>
      %reduce_sum3A_385 = tpu.scan <sum>, %add3A_382 masked %reduce_sum3A_384 : vector<16xf32>, vector<16xi1> -> vector<16xf32>
      %reduce_sum3A_386 = vector.extract %reduce_sum3A_385[15] : f32 from vector<16xf32>
      %broadcast_in_dim3A_387 = vector.broadcast %reduce_sum3A_386 : f32 to vector<16xf32>
      %select_n3A_388 = arith.select %eq3A_361, %broadcast_in_dim3A_387, %select_n3A_309 : vector<16xi1>, vector<16xf32>
      %mul3A_389 = arith.mulf %get3A_343, %get3A_355 : vector<16xf32>
      %mul3A_390 = arith.mulf %get3A_346, %get3A_358 : vector<16xf32>
      %add3A_391 = arith.addf %mul3A_389, %mul3A_390 : vector<16xf32>
      %reduce_sum3A_392 = arith.constant true
      %reduce_sum3A_393 = vector.broadcast %reduce_sum3A_392 : i1 to vector<16xi1>
      %reduce_sum3A_394 = tpu.scan <sum>, %add3A_391 masked %reduce_sum3A_393 : vector<16xf32>, vector<16xi1> -> vector<16xf32>
      %reduce_sum3A_395 = vector.extract %reduce_sum3A_394[15] : f32 from vector<16xf32>
      %broadcast_in_dim3A_396 = vector.broadcast %reduce_sum3A_395 : f32 to vector<16xf32>
      %select_n3A_397 = arith.select %eq3A_361, %broadcast_in_dim3A_396, %select_n3A_318 : vector<16xi1>, vector<16xf32>
      %mul3A_398 = arith.mulf %get3A_343, %get3A_349 : vector<16xf32>
      %mul3A_399 = arith.mulf %get3A_346, %get3A_352 : vector<16xf32>
      %add3A_400 = arith.addf %mul3A_398, %mul3A_399 : vector<16xf32>
      %reduce_sum3A_401 = arith.constant true
      %reduce_sum3A_402 = vector.broadcast %reduce_sum3A_401 : i1 to vector<16xi1>
      %reduce_sum3A_403 = tpu.scan <sum>, %add3A_400 masked %reduce_sum3A_402 : vector<16xf32>, vector<16xi1> -> vector<16xf32>
      %reduce_sum3A_404 = vector.extract %reduce_sum3A_403[15] : f32 from vector<16xf32>
      %broadcast_in_dim3A_405 = vector.broadcast %reduce_sum3A_404 : f32 to vector<16xf32>
      %select_n3A_406 = arith.select %eq3A_361, %broadcast_in_dim3A_405, %select_n3A_327 : vector<16xi1>, vector<16xf32>
      %mul3A_407 = arith.mulf %get3A_355, %get3A_349 : vector<16xf32>
      %mul3A_408 = arith.mulf %get3A_358, %get3A_352 : vector<16xf32>
      %add3A_409 = arith.addf %mul3A_407, %mul3A_408 : vector<16xf32>
      %reduce_sum3A_410 = arith.constant true
      %reduce_sum3A_411 = vector.broadcast %reduce_sum3A_410 : i1 to vector<16xi1>
      %reduce_sum3A_412 = tpu.scan <sum>, %add3A_409 masked %reduce_sum3A_411 : vector<16xf32>, vector<16xi1> -> vector<16xf32>
      %reduce_sum3A_413 = vector.extract %reduce_sum3A_412[15] : f32 from vector<16xf32>
      %broadcast_in_dim3A_414 = vector.broadcast %reduce_sum3A_413 : f32 to vector<16xf32>
      %select_n3A_415 = arith.select %eq3A_361, %broadcast_in_dim3A_414, %select_n3A_336 : vector<16xi1>, vector<16xf32>
      %mul3A_416 = arith.constant 16 : i32
      %mul3A_417 = arith.muli %scan3A_24, %mul3A_416 : i32
      %add3A_418 = arith.constant 5 : i32
      %add3A_419 = arith.addi %mul3A_417, %add3A_418 : i32
      %get3A_420 = arith.index_cast %add3A_419 : i32 to index
      %get3A_421 = arith.constant 0 : index
      %get3A_422 = tpu.vector_load %arg11[%get3A_420, %get3A_421] {strides = array<i32>} : memref<512x32xf32, #tpu.memory_space<vmem>>, vector<16xf32>,
      %get3A_423 = arith.index_cast %add3A_419 : i32 to index
      %get3A_424 = arith.constant 16 : index
      %get3A_425 = tpu.vector_load %arg11[%get3A_423, %get3A_424] {strides = array<i32>} : memref<512x32xf32, #tpu.memory_space<vmem>>, vector<16xf32>,
      %get3A_426 = arith.index_cast %add3A_419 : i32 to index
      %get3A_427 = arith.constant 0 : index
      %get3A_428 = tpu.vector_load %arg13[%get3A_426, %get3A_427] {strides = array<i32>} : memref<512x32xf32, #tpu.memory_space<vmem>>, vector<16xf32>,
      %get3A_429 = arith.index_cast %add3A_419 : i32 to index
      %get3A_430 = arith.constant 16 : index
      %get3A_431 = tpu.vector_load %arg13[%get3A_429, %get3A_430] {strides = array<i32>} : memref<512x32xf32, #tpu.memory_space<vmem>>, vector<16xf32>,
      %get3A_432 = arith.index_cast %add3A_419 : i32 to index
      %get3A_433 = arith.constant 0 : index
      %get3A_434 = tpu.vector_load %arg12[%get3A_432, %get3A_433] {strides = array<i32>} : memref<512x32xf32, #tpu.memory_space<vmem>>, vector<16xf32>,
      %get3A_435 = arith.index_cast %add3A_419 : i32 to index
      %get3A_436 = arith.constant 16 : index
      %get3A_437 = tpu.vector_load %arg12[%get3A_435, %get3A_436] {strides = array<i32>} : memref<512x32xf32, #tpu.memory_space<vmem>>, vector<16xf32>,
      %eq3A_438 = arith.constant 5 : i32
      %eq3A_439 = vector.broadcast %eq3A_438 : i32 to vector<16xi32>
      %eq3A_440 = arith.cmpi eq, %iota3A, %eq3A_439 : vector<16xi32>
      %mul3A_441 = arith.mulf %get3A_422, %get3A_422 : vector<16xf32>
      %mul3A_442 = arith.mulf %get3A_425, %get3A_425 : vector<16xf32>
      %add3A_443 = arith.addf %mul3A_441, %mul3A_442 : vector<16xf32>
      %reduce_sum3A_444 = arith.constant true
      %reduce_sum3A_445 = vector.broadcast %reduce_sum3A_444 : i1 to vector<16xi1>
      %reduce_sum3A_446 = tpu.scan <sum>, %add3A_443 masked %reduce_sum3A_445 : vector<16xf32>, vector<16xi1> -> vector<16xf32>
      %reduce_sum3A_447 = vector.extract %reduce_sum3A_446[15] : f32 from vector<16xf32>
      %broadcast_in_dim3A_448 = vector.broadcast %reduce_sum3A_447 : f32 to vector<16xf32>
      %select_n3A_449 = arith.select %eq3A_440, %broadcast_in_dim3A_448, %select_n3A_370 : vector<16xi1>, vector<16xf32>
      %mul3A_450 = arith.mulf %get3A_428, %get3A_428 : vector<16xf32>
      %mul3A_451 = arith.mulf %get3A_431, %get3A_431 : vector<16xf32>
      %add3A_452 = arith.addf %mul3A_450, %mul3A_451 : vector<16xf32>
      %reduce_sum3A_453 = arith.constant true
      %reduce_sum3A_454 = vector.broadcast %reduce_sum3A_453 : i1 to vector<16xi1>
      %reduce_sum3A_455 = tpu.scan <sum>, %add3A_452 masked %reduce_sum3A_454 : vector<16xf32>, vector<16xi1> -> vector<16xf32>
      %reduce_sum3A_456 = vector.extract %reduce_sum3A_455[15] : f32 from vector<16xf32>
      %broadcast_in_dim3A_457 = vector.broadcast %reduce_sum3A_456 : f32 to vector<16xf32>
      %select_n3A_458 = arith.select %eq3A_440, %broadcast_in_dim3A_457, %select_n3A_379 : vector<16xi1>, vector<16xf32>
      %mul3A_459 = arith.mulf %get3A_434, %get3A_434 : vector<16xf32>
      %mul3A_460 = arith.mulf %get3A_437, %get3A_437 : vector<16xf32>
      %add3A_461 = arith.addf %mul3A_459, %mul3A_460 : vector<16xf32>
      %reduce_sum3A_462 = arith.constant true
      %reduce_sum3A_463 = vector.broadcast %reduce_sum3A_462 : i1 to vector<16xi1>
      %reduce_sum3A_464 = tpu.scan <sum>, %add3A_461 masked %reduce_sum3A_463 : vector<16xf32>, vector<16xi1> -> vector<16xf32>
      %reduce_sum3A_465 = vector.extract %reduce_sum3A_464[15] : f32 from vector<16xf32>
      %broadcast_in_dim3A_466 = vector.broadcast %reduce_sum3A_465 : f32 to vector<16xf32>
      %select_n3A_467 = arith.select %eq3A_440, %broadcast_in_dim3A_466, %select_n3A_388 : vector<16xi1>, vector<16xf32>
      %mul3A_468 = arith.mulf %get3A_422, %get3A_434 : vector<16xf32>
      %mul3A_469 = arith.mulf %get3A_425, %get3A_437 : vector<16xf32>
      %add3A_470 = arith.addf %mul3A_468, %mul3A_469 : vector<16xf32>
      %reduce_sum3A_471 = arith.constant true
      %reduce_sum3A_472 = vector.broadcast %reduce_sum3A_471 : i1 to vector<16xi1>
      %reduce_sum3A_473 = tpu.scan <sum>, %add3A_470 masked %reduce_sum3A_472 : vector<16xf32>, vector<16xi1> -> vector<16xf32>
      %reduce_sum3A_474 = vector.extract %reduce_sum3A_473[15] : f32 from vector<16xf32>
      %broadcast_in_dim3A_475 = vector.broadcast %reduce_sum3A_474 : f32 to vector<16xf32>
      %select_n3A_476 = arith.select %eq3A_440, %broadcast_in_dim3A_475, %select_n3A_397 : vector<16xi1>, vector<16xf32>
      %mul3A_477 = arith.mulf %get3A_422, %get3A_428 : vector<16xf32>
      %mul3A_478 = arith.mulf %get3A_425, %get3A_431 : vector<16xf32>
      %add3A_479 = arith.addf %mul3A_477, %mul3A_478 : vector<16xf32>
      %reduce_sum3A_480 = arith.constant true
      %reduce_sum3A_481 = vector.broadcast %reduce_sum3A_480 : i1 to vector<16xi1>
      %reduce_sum3A_482 = tpu.scan <sum>, %add3A_479 masked %reduce_sum3A_481 : vector<16xf32>, vector<16xi1> -> vector<16xf32>
      %reduce_sum3A_483 = vector.extract %reduce_sum3A_482[15] : f32 from vector<16xf32>
      %broadcast_in_dim3A_484 = vector.broadcast %reduce_sum3A_483 : f32 to vector<16xf32>
      %select_n3A_485 = arith.select %eq3A_440, %broadcast_in_dim3A_484, %select_n3A_406 : vector<16xi1>, vector<16xf32>
      %mul3A_486 = arith.mulf %get3A_434, %get3A_428 : vector<16xf32>
      %mul3A_487 = arith.mulf %get3A_437, %get3A_431 : vector<16xf32>
      %add3A_488 = arith.addf %mul3A_486, %mul3A_487 : vector<16xf32>
      %reduce_sum3A_489 = arith.constant true
      %reduce_sum3A_490 = vector.broadcast %reduce_sum3A_489 : i1 to vector<16xi1>
      %reduce_sum3A_491 = tpu.scan <sum>, %add3A_488 masked %reduce_sum3A_490 : vector<16xf32>, vector<16xi1> -> vector<16xf32>
      %reduce_sum3A_492 = vector.extract %reduce_sum3A_491[15] : f32 from vector<16xf32>
      %broadcast_in_dim3A_493 = vector.broadcast %reduce_sum3A_492 : f32 to vector<16xf32>
      %select_n3A_494 = arith.select %eq3A_440, %broadcast_in_dim3A_493, %select_n3A_415 : vector<16xi1>, vector<16xf32>
      %mul3A_495 = arith.constant 16 : i32
      %mul3A_496 = arith.muli %scan3A_24, %mul3A_495 : i32
      %add3A_497 = arith.constant 6 : i32
      %add3A_498 = arith.addi %mul3A_496, %add3A_497 : i32
      %get3A_499 = arith.index_cast %add3A_498 : i32 to index
      %get3A_500 = arith.constant 0 : index
      %get3A_501 = tpu.vector_load %arg11[%get3A_499, %get3A_500] {strides = array<i32>} : memref<512x32xf32, #tpu.memory_space<vmem>>, vector<16xf32>,
      %get3A_502 = arith.index_cast %add3A_498 : i32 to index
      %get3A_503 = arith.constant 16 : index
      %get3A_504 = tpu.vector_load %arg11[%get3A_502, %get3A_503] {strides = array<i32>} : memref<512x32xf32, #tpu.memory_space<vmem>>, vector<16xf32>,
      %get3A_505 = arith.index_cast %add3A_498 : i32 to index
      %get3A_506 = arith.constant 0 : index
      %get3A_507 = tpu.vector_load %arg13[%get3A_505, %get3A_506] {strides = array<i32>} : memref<512x32xf32, #tpu.memory_space<vmem>>, vector<16xf32>,
      %get3A_508 = arith.index_cast %add3A_498 : i32 to index
      %get3A_509 = arith.constant 16 : index
      %get3A_510 = tpu.vector_load %arg13[%get3A_508, %get3A_509] {strides = array<i32>} : memref<512x32xf32, #tpu.memory_space<vmem>>, vector<16xf32>,
      %get3A_511 = arith.index_cast %add3A_498 : i32 to index
      %get3A_512 = arith.constant 0 : index
      %get3A_513 = tpu.vector_load %arg12[%get3A_511, %get3A_512] {strides = array<i32>} : memref<512x32xf32, #tpu.memory_space<vmem>>, vector<16xf32>,
      %get3A_514 = arith.index_cast %add3A_498 : i32 to index
      %get3A_515 = arith.constant 16 : index
      %get3A_516 = tpu.vector_load %arg12[%get3A_514, %get3A_515] {strides = array<i32>} : memref<512x32xf32, #tpu.memory_space<vmem>>, vector<16xf32>,
      %eq3A_517 = arith.constant 6 : i32
      %eq3A_518 = vector.broadcast %eq3A_517 : i32 to vector<16xi32>
      %eq3A_519 = arith.cmpi eq, %iota3A, %eq3A_518 : vector<16xi32>
      %mul3A_520 = arith.mulf %get3A_501, %get3A_501 : vector<16xf32>
      %mul3A_521 = arith.mulf %get3A_504, %get3A_504 : vector<16xf32>
      %add3A_522 = arith.addf %mul3A_520, %mul3A_521 : vector<16xf32>
      %reduce_sum3A_523 = arith.constant true
      %reduce_sum3A_524 = vector.broadcast %reduce_sum3A_523 : i1 to vector<16xi1>
      %reduce_sum3A_525 = tpu.scan <sum>, %add3A_522 masked %reduce_sum3A_524 : vector<16xf32>, vector<16xi1> -> vector<16xf32>
      %reduce_sum3A_526 = vector.extract %reduce_sum3A_525[15] : f32 from vector<16xf32>
      %broadcast_in_dim3A_527 = vector.broadcast %reduce_sum3A_526 : f32 to vector<16xf32>
      %select_n3A_528 = arith.select %eq3A_519, %broadcast_in_dim3A_527, %select_n3A_449 : vector<16xi1>, vector<16xf32>
      %mul3A_529 = arith.mulf %get3A_507, %get3A_507 : vector<16xf32>
      %mul3A_530 = arith.mulf %get3A_510, %get3A_510 : vector<16xf32>
      %add3A_531 = arith.addf %mul3A_529, %mul3A_530 : vector<16xf32>
      %reduce_sum3A_532 = arith.constant true
      %reduce_sum3A_533 = vector.broadcast %reduce_sum3A_532 : i1 to vector<16xi1>
      %reduce_sum3A_534 = tpu.scan <sum>, %add3A_531 masked %reduce_sum3A_533 : vector<16xf32>, vector<16xi1> -> vector<16xf32>
      %reduce_sum3A_535 = vector.extract %reduce_sum3A_534[15] : f32 from vector<16xf32>
      %broadcast_in_dim3A_536 = vector.broadcast %reduce_sum3A_535 : f32 to vector<16xf32>
      %select_n3A_537 = arith.select %eq3A_519, %broadcast_in_dim3A_536, %select_n3A_458 : vector<16xi1>, vector<16xf32>
      %mul3A_538 = arith.mulf %get3A_513, %get3A_513 : vector<16xf32>
      %mul3A_539 = arith.mulf %get3A_516, %get3A_516 : vector<16xf32>
      %add3A_540 = arith.addf %mul3A_538, %mul3A_539 : vector<16xf32>
      %reduce_sum3A_541 = arith.constant true
      %reduce_sum3A_542 = vector.broadcast %reduce_sum3A_541 : i1 to vector<16xi1>
      %reduce_sum3A_543 = tpu.scan <sum>, %add3A_540 masked %reduce_sum3A_542 : vector<16xf32>, vector<16xi1> -> vector<16xf32>
      %reduce_sum3A_544 = vector.extract %reduce_sum3A_543[15] : f32 from vector<16xf32>
      %broadcast_in_dim3A_545 = vector.broadcast %reduce_sum3A_544 : f32 to vector<16xf32>
      %select_n3A_546 = arith.select %eq3A_519, %broadcast_in_dim3A_545, %select_n3A_467 : vector<16xi1>, vector<16xf32>
      %mul3A_547 = arith.mulf %get3A_501, %get3A_513 : vector<16xf32>
      %mul3A_548 = arith.mulf %get3A_504, %get3A_516 : vector<16xf32>
      %add3A_549 = arith.addf %mul3A_547, %mul3A_548 : vector<16xf32>
      %reduce_sum3A_550 = arith.constant true
      %reduce_sum3A_551 = vector.broadcast %reduce_sum3A_550 : i1 to vector<16xi1>
      %reduce_sum3A_552 = tpu.scan <sum>, %add3A_549 masked %reduce_sum3A_551 : vector<16xf32>, vector<16xi1> -> vector<16xf32>
      %reduce_sum3A_553 = vector.extract %reduce_sum3A_552[15] : f32 from vector<16xf32>
      %broadcast_in_dim3A_554 = vector.broadcast %reduce_sum3A_553 : f32 to vector<16xf32>
      %select_n3A_555 = arith.select %eq3A_519, %broadcast_in_dim3A_554, %select_n3A_476 : vector<16xi1>, vector<16xf32>
      %mul3A_556 = arith.mulf %get3A_501, %get3A_507 : vector<16xf32>
      %mul3A_557 = arith.mulf %get3A_504, %get3A_510 : vector<16xf32>
      %add3A_558 = arith.addf %mul3A_556, %mul3A_557 : vector<16xf32>
      %reduce_sum3A_559 = arith.constant true
      %reduce_sum3A_560 = vector.broadcast %reduce_sum3A_559 : i1 to vector<16xi1>
      %reduce_sum3A_561 = tpu.scan <sum>, %add3A_558 masked %reduce_sum3A_560 : vector<16xf32>, vector<16xi1> -> vector<16xf32>
      %reduce_sum3A_562 = vector.extract %reduce_sum3A_561[15] : f32 from vector<16xf32>
      %broadcast_in_dim3A_563 = vector.broadcast %reduce_sum3A_562 : f32 to vector<16xf32>
      %select_n3A_564 = arith.select %eq3A_519, %broadcast_in_dim3A_563, %select_n3A_485 : vector<16xi1>, vector<16xf32>
      %mul3A_565 = arith.mulf %get3A_513, %get3A_507 : vector<16xf32>
      %mul3A_566 = arith.mulf %get3A_516, %get3A_510 : vector<16xf32>
      %add3A_567 = arith.addf %mul3A_565, %mul3A_566 : vector<16xf32>
      %reduce_sum3A_568 = arith.constant true
      %reduce_sum3A_569 = vector.broadcast %reduce_sum3A_568 : i1 to vector<16xi1>
      %reduce_sum3A_570 = tpu.scan <sum>, %add3A_567 masked %reduce_sum3A_569 : vector<16xf32>, vector<16xi1> -> vector<16xf32>
      %reduce_sum3A_571 = vector.extract %reduce_sum3A_570[15] : f32 from vector<16xf32>
      %broadcast_in_dim3A_572 = vector.broadcast %reduce_sum3A_571 : f32 to vector<16xf32>
      %select_n3A_573 = arith.select %eq3A_519, %broadcast_in_dim3A_572, %select_n3A_494 : vector<16xi1>, vector<16xf32>
      %mul3A_574 = arith.constant 16 : i32
      %mul3A_575 = arith.muli %scan3A_24, %mul3A_574 : i32
      %add3A_576 = arith.constant 7 : i32
      %add3A_577 = arith.addi %mul3A_575, %add3A_576 : i32
      %get3A_578 = arith.index_cast %add3A_577 : i32 to index
      %get3A_579 = arith.constant 0 : index
      %get3A_580 = tpu.vector_load %arg11[%get3A_578, %get3A_579] {strides = array<i32>} : memref<512x32xf32, #tpu.memory_space<vmem>>, vector<16xf32>,
      %get3A_581 = arith.index_cast %add3A_577 : i32 to index
      %get3A_582 = arith.constant 16 : index
      %get3A_583 = tpu.vector_load %arg11[%get3A_581, %get3A_582] {strides = array<i32>} : memref<512x32xf32, #tpu.memory_space<vmem>>, vector<16xf32>,
      %get3A_584 = arith.index_cast %add3A_577 : i32 to index
      %get3A_585 = arith.constant 0 : index
      %get3A_586 = tpu.vector_load %arg13[%get3A_584, %get3A_585] {strides = array<i32>} : memref<512x32xf32, #tpu.memory_space<vmem>>, vector<16xf32>,
      %get3A_587 = arith.index_cast %add3A_577 : i32 to index
      %get3A_588 = arith.constant 16 : index
      %get3A_589 = tpu.vector_load %arg13[%get3A_587, %get3A_588] {strides = array<i32>} : memref<512x32xf32, #tpu.memory_space<vmem>>, vector<16xf32>,
      %get3A_590 = arith.index_cast %add3A_577 : i32 to index
      %get3A_591 = arith.constant 0 : index
      %get3A_592 = tpu.vector_load %arg12[%get3A_590, %get3A_591] {strides = array<i32>} : memref<512x32xf32, #tpu.memory_space<vmem>>, vector<16xf32>,
      %get3A_593 = arith.index_cast %add3A_577 : i32 to index
      %get3A_594 = arith.constant 16 : index
      %get3A_595 = tpu.vector_load %arg12[%get3A_593, %get3A_594] {strides = array<i32>} : memref<512x32xf32, #tpu.memory_space<vmem>>, vector<16xf32>,
      %eq3A_596 = arith.constant 7 : i32
      %eq3A_597 = vector.broadcast %eq3A_596 : i32 to vector<16xi32>
      %eq3A_598 = arith.cmpi eq, %iota3A, %eq3A_597 : vector<16xi32>
      %mul3A_599 = arith.mulf %get3A_580, %get3A_580 : vector<16xf32>
      %mul3A_600 = arith.mulf %get3A_583, %get3A_583 : vector<16xf32>
      %add3A_601 = arith.addf %mul3A_599, %mul3A_600 : vector<16xf32>
      %reduce_sum3A_602 = arith.constant true
      %reduce_sum3A_603 = vector.broadcast %reduce_sum3A_602 : i1 to vector<16xi1>
      %reduce_sum3A_604 = tpu.scan <sum>, %add3A_601 masked %reduce_sum3A_603 : vector<16xf32>, vector<16xi1> -> vector<16xf32>
      %reduce_sum3A_605 = vector.extract %reduce_sum3A_604[15] : f32 from vector<16xf32>
      %broadcast_in_dim3A_606 = vector.broadcast %reduce_sum3A_605 : f32 to vector<16xf32>
      %select_n3A_607 = arith.select %eq3A_598, %broadcast_in_dim3A_606, %select_n3A_528 : vector<16xi1>, vector<16xf32>
      %mul3A_608 = arith.mulf %get3A_586, %get3A_586 : vector<16xf32>
      %mul3A_609 = arith.mulf %get3A_589, %get3A_589 : vector<16xf32>
      %add3A_610 = arith.addf %mul3A_608, %mul3A_609 : vector<16xf32>
      %reduce_sum3A_611 = arith.constant true
      %reduce_sum3A_612 = vector.broadcast %reduce_sum3A_611 : i1 to vector<16xi1>
      %reduce_sum3A_613 = tpu.scan <sum>, %add3A_610 masked %reduce_sum3A_612 : vector<16xf32>, vector<16xi1> -> vector<16xf32>
      %reduce_sum3A_614 = vector.extract %reduce_sum3A_613[15] : f32 from vector<16xf32>
      %broadcast_in_dim3A_615 = vector.broadcast %reduce_sum3A_614 : f32 to vector<16xf32>
      %select_n3A_616 = arith.select %eq3A_598, %broadcast_in_dim3A_615, %select_n3A_537 : vector<16xi1>, vector<16xf32>
      %mul3A_617 = arith.mulf %get3A_592, %get3A_592 : vector<16xf32>
      %mul3A_618 = arith.mulf %get3A_595, %get3A_595 : vector<16xf32>
      %add3A_619 = arith.addf %mul3A_617, %mul3A_618 : vector<16xf32>
      %reduce_sum3A_620 = arith.constant true
      %reduce_sum3A_621 = vector.broadcast %reduce_sum3A_620 : i1 to vector<16xi1>
      %reduce_sum3A_622 = tpu.scan <sum>, %add3A_619 masked %reduce_sum3A_621 : vector<16xf32>, vector<16xi1> -> vector<16xf32>
      %reduce_sum3A_623 = vector.extract %reduce_sum3A_622[15] : f32 from vector<16xf32>
      %broadcast_in_dim3A_624 = vector.broadcast %reduce_sum3A_623 : f32 to vector<16xf32>
      %select_n3A_625 = arith.select %eq3A_598, %broadcast_in_dim3A_624, %select_n3A_546 : vector<16xi1>, vector<16xf32>
      %mul3A_626 = arith.mulf %get3A_580, %get3A_592 : vector<16xf32>
      %mul3A_627 = arith.mulf %get3A_583, %get3A_595 : vector<16xf32>
      %add3A_628 = arith.addf %mul3A_626, %mul3A_627 : vector<16xf32>
      %reduce_sum3A_629 = arith.constant true
      %reduce_sum3A_630 = vector.broadcast %reduce_sum3A_629 : i1 to vector<16xi1>
      %reduce_sum3A_631 = tpu.scan <sum>, %add3A_628 masked %reduce_sum3A_630 : vector<16xf32>, vector<16xi1> -> vector<16xf32>
      %reduce_sum3A_632 = vector.extract %reduce_sum3A_631[15] : f32 from vector<16xf32>
      %broadcast_in_dim3A_633 = vector.broadcast %reduce_sum3A_632 : f32 to vector<16xf32>
      %select_n3A_634 = arith.select %eq3A_598, %broadcast_in_dim3A_633, %select_n3A_555 : vector<16xi1>, vector<16xf32>
      %mul3A_635 = arith.mulf %get3A_580, %get3A_586 : vector<16xf32>
      %mul3A_636 = arith.mulf %get3A_583, %get3A_589 : vector<16xf32>
      %add3A_637 = arith.addf %mul3A_635, %mul3A_636 : vector<16xf32>
      %reduce_sum3A_638 = arith.constant true
      %reduce_sum3A_639 = vector.broadcast %reduce_sum3A_638 : i1 to vector<16xi1>
      %reduce_sum3A_640 = tpu.scan <sum>, %add3A_637 masked %reduce_sum3A_639 : vector<16xf32>, vector<16xi1> -> vector<16xf32>
      %reduce_sum3A_641 = vector.extract %reduce_sum3A_640[15] : f32 from vector<16xf32>
      %broadcast_in_dim3A_642 = vector.broadcast %reduce_sum3A_641 : f32 to vector<16xf32>
      %select_n3A_643 = arith.select %eq3A_598, %broadcast_in_dim3A_642, %select_n3A_564 : vector<16xi1>, vector<16xf32>
      %mul3A_644 = arith.mulf %get3A_592, %get3A_586 : vector<16xf32>
      %mul3A_645 = arith.mulf %get3A_595, %get3A_589 : vector<16xf32>
      %add3A_646 = arith.addf %mul3A_644, %mul3A_645 : vector<16xf32>
      %reduce_sum3A_647 = arith.constant true
      %reduce_sum3A_648 = vector.broadcast %reduce_sum3A_647 : i1 to vector<16xi1>
      %reduce_sum3A_649 = tpu.scan <sum>, %add3A_646 masked %reduce_sum3A_648 : vector<16xf32>, vector<16xi1> -> vector<16xf32>
      %reduce_sum3A_650 = vector.extract %reduce_sum3A_649[15] : f32 from vector<16xf32>
      %broadcast_in_dim3A_651 = vector.broadcast %reduce_sum3A_650 : f32 to vector<16xf32>
      %select_n3A_652 = arith.select %eq3A_598, %broadcast_in_dim3A_651, %select_n3A_573 : vector<16xi1>, vector<16xf32>
      %mul3A_653 = arith.constant 16 : i32
      %mul3A_654 = arith.muli %scan3A_24, %mul3A_653 : i32
      %add3A_655 = arith.constant 8 : i32
      %add3A_656 = arith.addi %mul3A_654, %add3A_655 : i32
      %get3A_657 = arith.index_cast %add3A_656 : i32 to index
      %get3A_658 = arith.constant 0 : index
      %get3A_659 = tpu.vector_load %arg11[%get3A_657, %get3A_658] {strides = array<i32>} : memref<512x32xf32, #tpu.memory_space<vmem>>, vector<16xf32>,
      %get3A_660 = arith.index_cast %add3A_656 : i32 to index
      %get3A_661 = arith.constant 16 : index
      %get3A_662 = tpu.vector_load %arg11[%get3A_660, %get3A_661] {strides = array<i32>} : memref<512x32xf32, #tpu.memory_space<vmem>>, vector<16xf32>,
      %get3A_663 = arith.index_cast %add3A_656 : i32 to index
      %get3A_664 = arith.constant 0 : index
      %get3A_665 = tpu.vector_load %arg13[%get3A_663, %get3A_664] {strides = array<i32>} : memref<512x32xf32, #tpu.memory_space<vmem>>, vector<16xf32>,
      %get3A_666 = arith.index_cast %add3A_656 : i32 to index
      %get3A_667 = arith.constant 16 : index
      %get3A_668 = tpu.vector_load %arg13[%get3A_666, %get3A_667] {strides = array<i32>} : memref<512x32xf32, #tpu.memory_space<vmem>>, vector<16xf32>,
      %get3A_669 = arith.index_cast %add3A_656 : i32 to index
      %get3A_670 = arith.constant 0 : index
      %get3A_671 = tpu.vector_load %arg12[%get3A_669, %get3A_670] {strides = array<i32>} : memref<512x32xf32, #tpu.memory_space<vmem>>, vector<16xf32>,
      %get3A_672 = arith.index_cast %add3A_656 : i32 to index
      %get3A_673 = arith.constant 16 : index
      %get3A_674 = tpu.vector_load %arg12[%get3A_672, %get3A_673] {strides = array<i32>} : memref<512x32xf32, #tpu.memory_space<vmem>>, vector<16xf32>,
      %eq3A_675 = arith.constant 8 : i32
      %eq3A_676 = vector.broadcast %eq3A_675 : i32 to vector<16xi32>
      %eq3A_677 = arith.cmpi eq, %iota3A, %eq3A_676 : vector<16xi32>
      %mul3A_678 = arith.mulf %get3A_659, %get3A_659 : vector<16xf32>
      %mul3A_679 = arith.mulf %get3A_662, %get3A_662 : vector<16xf32>
      %add3A_680 = arith.addf %mul3A_678, %mul3A_679 : vector<16xf32>
      %reduce_sum3A_681 = arith.constant true
      %reduce_sum3A_682 = vector.broadcast %reduce_sum3A_681 : i1 to vector<16xi1>
      %reduce_sum3A_683 = tpu.scan <sum>, %add3A_680 masked %reduce_sum3A_682 : vector<16xf32>, vector<16xi1> -> vector<16xf32>
      %reduce_sum3A_684 = vector.extract %reduce_sum3A_683[15] : f32 from vector<16xf32>
      %broadcast_in_dim3A_685 = vector.broadcast %reduce_sum3A_684 : f32 to vector<16xf32>
      %select_n3A_686 = arith.select %eq3A_677, %broadcast_in_dim3A_685, %select_n3A_607 : vector<16xi1>, vector<16xf32>
      %mul3A_687 = arith.mulf %get3A_665, %get3A_665 : vector<16xf32>
      %mul3A_688 = arith.mulf %get3A_668, %get3A_668 : vector<16xf32>
      %add3A_689 = arith.addf %mul3A_687, %mul3A_688 : vector<16xf32>
      %reduce_sum3A_690 = arith.constant true
      %reduce_sum3A_691 = vector.broadcast %reduce_sum3A_690 : i1 to vector<16xi1>
      %reduce_sum3A_692 = tpu.scan <sum>, %add3A_689 masked %reduce_sum3A_691 : vector<16xf32>, vector<16xi1> -> vector<16xf32>
      %reduce_sum3A_693 = vector.extract %reduce_sum3A_692[15] : f32 from vector<16xf32>
      %broadcast_in_dim3A_694 = vector.broadcast %reduce_sum3A_693 : f32 to vector<16xf32>
      %select_n3A_695 = arith.select %eq3A_677, %broadcast_in_dim3A_694, %select_n3A_616 : vector<16xi1>, vector<16xf32>
      %mul3A_696 = arith.mulf %get3A_671, %get3A_671 : vector<16xf32>
      %mul3A_697 = arith.mulf %get3A_674, %get3A_674 : vector<16xf32>
      %add3A_698 = arith.addf %mul3A_696, %mul3A_697 : vector<16xf32>
      %reduce_sum3A_699 = arith.constant true
      %reduce_sum3A_700 = vector.broadcast %reduce_sum3A_699 : i1 to vector<16xi1>
      %reduce_sum3A_701 = tpu.scan <sum>, %add3A_698 masked %reduce_sum3A_700 : vector<16xf32>, vector<16xi1> -> vector<16xf32>
      %reduce_sum3A_702 = vector.extract %reduce_sum3A_701[15] : f32 from vector<16xf32>
      %broadcast_in_dim3A_703 = vector.broadcast %reduce_sum3A_702 : f32 to vector<16xf32>
      %select_n3A_704 = arith.select %eq3A_677, %broadcast_in_dim3A_703, %select_n3A_625 : vector<16xi1>, vector<16xf32>
      %mul3A_705 = arith.mulf %get3A_659, %get3A_671 : vector<16xf32>
      %mul3A_706 = arith.mulf %get3A_662, %get3A_674 : vector<16xf32>
      %add3A_707 = arith.addf %mul3A_705, %mul3A_706 : vector<16xf32>
      %reduce_sum3A_708 = arith.constant true
      %reduce_sum3A_709 = vector.broadcast %reduce_sum3A_708 : i1 to vector<16xi1>
      %reduce_sum3A_710 = tpu.scan <sum>, %add3A_707 masked %reduce_sum3A_709 : vector<16xf32>, vector<16xi1> -> vector<16xf32>
      %reduce_sum3A_711 = vector.extract %reduce_sum3A_710[15] : f32 from vector<16xf32>
      %broadcast_in_dim3A_712 = vector.broadcast %reduce_sum3A_711 : f32 to vector<16xf32>
      %select_n3A_713 = arith.select %eq3A_677, %broadcast_in_dim3A_712, %select_n3A_634 : vector<16xi1>, vector<16xf32>
      %mul3A_714 = arith.mulf %get3A_659, %get3A_665 : vector<16xf32>
      %mul3A_715 = arith.mulf %get3A_662, %get3A_668 : vector<16xf32>
      %add3A_716 = arith.addf %mul3A_714, %mul3A_715 : vector<16xf32>
      %reduce_sum3A_717 = arith.constant true
      %reduce_sum3A_718 = vector.broadcast %reduce_sum3A_717 : i1 to vector<16xi1>
      %reduce_sum3A_719 = tpu.scan <sum>, %add3A_716 masked %reduce_sum3A_718 : vector<16xf32>, vector<16xi1> -> vector<16xf32>
      %reduce_sum3A_720 = vector.extract %reduce_sum3A_719[15] : f32 from vector<16xf32>
      %broadcast_in_dim3A_721 = vector.broadcast %reduce_sum3A_720 : f32 to vector<16xf32>
      %select_n3A_722 = arith.select %eq3A_677, %broadcast_in_dim3A_721, %select_n3A_643 : vector<16xi1>, vector<16xf32>
      %mul3A_723 = arith.mulf %get3A_671, %get3A_665 : vector<16xf32>
      %mul3A_724 = arith.mulf %get3A_674, %get3A_668 : vector<16xf32>
      %add3A_725 = arith.addf %mul3A_723, %mul3A_724 : vector<16xf32>
      %reduce_sum3A_726 = arith.constant true
      %reduce_sum3A_727 = vector.broadcast %reduce_sum3A_726 : i1 to vector<16xi1>
      %reduce_sum3A_728 = tpu.scan <sum>, %add3A_725 masked %reduce_sum3A_727 : vector<16xf32>, vector<16xi1> -> vector<16xf32>
      %reduce_sum3A_729 = vector.extract %reduce_sum3A_728[15] : f32 from vector<16xf32>
      %broadcast_in_dim3A_730 = vector.broadcast %reduce_sum3A_729 : f32 to vector<16xf32>
      %select_n3A_731 = arith.select %eq3A_677, %broadcast_in_dim3A_730, %select_n3A_652 : vector<16xi1>, vector<16xf32>
      %mul3A_732 = arith.constant 16 : i32
      %mul3A_733 = arith.muli %scan3A_24, %mul3A_732 : i32
      %add3A_734 = arith.constant 9 : i32
      %add3A_735 = arith.addi %mul3A_733, %add3A_734 : i32
      %get3A_736 = arith.index_cast %add3A_735 : i32 to index
      %get3A_737 = arith.constant 0 : index
      %get3A_738 = tpu.vector_load %arg11[%get3A_736, %get3A_737] {strides = array<i32>} : memref<512x32xf32, #tpu.memory_space<vmem>>, vector<16xf32>,
      %get3A_739 = arith.index_cast %add3A_735 : i32 to index
      %get3A_740 = arith.constant 16 : index
      %get3A_741 = tpu.vector_load %arg11[%get3A_739, %get3A_740] {strides = array<i32>} : memref<512x32xf32, #tpu.memory_space<vmem>>, vector<16xf32>,
      %get3A_742 = arith.index_cast %add3A_735 : i32 to index
      %get3A_743 = arith.constant 0 : index
      %get3A_744 = tpu.vector_load %arg13[%get3A_742, %get3A_743] {strides = array<i32>} : memref<512x32xf32, #tpu.memory_space<vmem>>, vector<16xf32>,
      %get3A_745 = arith.index_cast %add3A_735 : i32 to index
      %get3A_746 = arith.constant 16 : index
      %get3A_747 = tpu.vector_load %arg13[%get3A_745, %get3A_746] {strides = array<i32>} : memref<512x32xf32, #tpu.memory_space<vmem>>, vector<16xf32>,
      %get3A_748 = arith.index_cast %add3A_735 : i32 to index
      %get3A_749 = arith.constant 0 : index
      %get3A_750 = tpu.vector_load %arg12[%get3A_748, %get3A_749] {strides = array<i32>} : memref<512x32xf32, #tpu.memory_space<vmem>>, vector<16xf32>,
      %get3A_751 = arith.index_cast %add3A_735 : i32 to index
      %get3A_752 = arith.constant 16 : index
      %get3A_753 = tpu.vector_load %arg12[%get3A_751, %get3A_752] {strides = array<i32>} : memref<512x32xf32, #tpu.memory_space<vmem>>, vector<16xf32>,
      %eq3A_754 = arith.constant 9 : i32
      %eq3A_755 = vector.broadcast %eq3A_754 : i32 to vector<16xi32>
      %eq3A_756 = arith.cmpi eq, %iota3A, %eq3A_755 : vector<16xi32>
      %mul3A_757 = arith.mulf %get3A_738, %get3A_738 : vector<16xf32>
      %mul3A_758 = arith.mulf %get3A_741, %get3A_741 : vector<16xf32>
      %add3A_759 = arith.addf %mul3A_757, %mul3A_758 : vector<16xf32>
      %reduce_sum3A_760 = arith.constant true
      %reduce_sum3A_761 = vector.broadcast %reduce_sum3A_760 : i1 to vector<16xi1>
      %reduce_sum3A_762 = tpu.scan <sum>, %add3A_759 masked %reduce_sum3A_761 : vector<16xf32>, vector<16xi1> -> vector<16xf32>
      %reduce_sum3A_763 = vector.extract %reduce_sum3A_762[15] : f32 from vector<16xf32>
      %broadcast_in_dim3A_764 = vector.broadcast %reduce_sum3A_763 : f32 to vector<16xf32>
      %select_n3A_765 = arith.select %eq3A_756, %broadcast_in_dim3A_764, %select_n3A_686 : vector<16xi1>, vector<16xf32>
      %mul3A_766 = arith.mulf %get3A_744, %get3A_744 : vector<16xf32>
      %mul3A_767 = arith.mulf %get3A_747, %get3A_747 : vector<16xf32>
      %add3A_768 = arith.addf %mul3A_766, %mul3A_767 : vector<16xf32>
      %reduce_sum3A_769 = arith.constant true
      %reduce_sum3A_770 = vector.broadcast %reduce_sum3A_769 : i1 to vector<16xi1>
      %reduce_sum3A_771 = tpu.scan <sum>, %add3A_768 masked %reduce_sum3A_770 : vector<16xf32>, vector<16xi1> -> vector<16xf32>
      %reduce_sum3A_772 = vector.extract %reduce_sum3A_771[15] : f32 from vector<16xf32>
      %broadcast_in_dim3A_773 = vector.broadcast %reduce_sum3A_772 : f32 to vector<16xf32>
      %select_n3A_774 = arith.select %eq3A_756, %broadcast_in_dim3A_773, %select_n3A_695 : vector<16xi1>, vector<16xf32>
      %mul3A_775 = arith.mulf %get3A_750, %get3A_750 : vector<16xf32>
      %mul3A_776 = arith.mulf %get3A_753, %get3A_753 : vector<16xf32>
      %add3A_777 = arith.addf %mul3A_775, %mul3A_776 : vector<16xf32>
      %reduce_sum3A_778 = arith.constant true
      %reduce_sum3A_779 = vector.broadcast %reduce_sum3A_778 : i1 to vector<16xi1>
      %reduce_sum3A_780 = tpu.scan <sum>, %add3A_777 masked %reduce_sum3A_779 : vector<16xf32>, vector<16xi1> -> vector<16xf32>
      %reduce_sum3A_781 = vector.extract %reduce_sum3A_780[15] : f32 from vector<16xf32>
      %broadcast_in_dim3A_782 = vector.broadcast %reduce_sum3A_781 : f32 to vector<16xf32>
      %select_n3A_783 = arith.select %eq3A_756, %broadcast_in_dim3A_782, %select_n3A_704 : vector<16xi1>, vector<16xf32>
      %mul3A_784 = arith.mulf %get3A_738, %get3A_750 : vector<16xf32>
      %mul3A_785 = arith.mulf %get3A_741, %get3A_753 : vector<16xf32>
      %add3A_786 = arith.addf %mul3A_784, %mul3A_785 : vector<16xf32>
      %reduce_sum3A_787 = arith.constant true
      %reduce_sum3A_788 = vector.broadcast %reduce_sum3A_787 : i1 to vector<16xi1>
      %reduce_sum3A_789 = tpu.scan <sum>, %add3A_786 masked %reduce_sum3A_788 : vector<16xf32>, vector<16xi1> -> vector<16xf32>
      %reduce_sum3A_790 = vector.extract %reduce_sum3A_789[15] : f32 from vector<16xf32>
      %broadcast_in_dim3A_791 = vector.broadcast %reduce_sum3A_790 : f32 to vector<16xf32>
      %select_n3A_792 = arith.select %eq3A_756, %broadcast_in_dim3A_791, %select_n3A_713 : vector<16xi1>, vector<16xf32>
      %mul3A_793 = arith.mulf %get3A_738, %get3A_744 : vector<16xf32>
      %mul3A_794 = arith.mulf %get3A_741, %get3A_747 : vector<16xf32>
      %add3A_795 = arith.addf %mul3A_793, %mul3A_794 : vector<16xf32>
      %reduce_sum3A_796 = arith.constant true
      %reduce_sum3A_797 = vector.broadcast %reduce_sum3A_796 : i1 to vector<16xi1>
      %reduce_sum3A_798 = tpu.scan <sum>, %add3A_795 masked %reduce_sum3A_797 : vector<16xf32>, vector<16xi1> -> vector<16xf32>
      %reduce_sum3A_799 = vector.extract %reduce_sum3A_798[15] : f32 from vector<16xf32>
      %broadcast_in_dim3A_800 = vector.broadcast %reduce_sum3A_799 : f32 to vector<16xf32>
      %select_n3A_801 = arith.select %eq3A_756, %broadcast_in_dim3A_800, %select_n3A_722 : vector<16xi1>, vector<16xf32>
      %mul3A_802 = arith.mulf %get3A_750, %get3A_744 : vector<16xf32>
      %mul3A_803 = arith.mulf %get3A_753, %get3A_747 : vector<16xf32>
      %add3A_804 = arith.addf %mul3A_802, %mul3A_803 : vector<16xf32>
      %reduce_sum3A_805 = arith.constant true
      %reduce_sum3A_806 = vector.broadcast %reduce_sum3A_805 : i1 to vector<16xi1>
      %reduce_sum3A_807 = tpu.scan <sum>, %add3A_804 masked %reduce_sum3A_806 : vector<16xf32>, vector<16xi1> -> vector<16xf32>
      %reduce_sum3A_808 = vector.extract %reduce_sum3A_807[15] : f32 from vector<16xf32>
      %broadcast_in_dim3A_809 = vector.broadcast %reduce_sum3A_808 : f32 to vector<16xf32>
      %select_n3A_810 = arith.select %eq3A_756, %broadcast_in_dim3A_809, %select_n3A_731 : vector<16xi1>, vector<16xf32>
      %mul3A_811 = arith.constant 16 : i32
      %mul3A_812 = arith.muli %scan3A_24, %mul3A_811 : i32
      %add3A_813 = arith.constant 10 : i32
      %add3A_814 = arith.addi %mul3A_812, %add3A_813 : i32
      %get3A_815 = arith.index_cast %add3A_814 : i32 to index
      %get3A_816 = arith.constant 0 : index
      %get3A_817 = tpu.vector_load %arg11[%get3A_815, %get3A_816] {strides = array<i32>} : memref<512x32xf32, #tpu.memory_space<vmem>>, vector<16xf32>,
      %get3A_818 = arith.index_cast %add3A_814 : i32 to index
      %get3A_819 = arith.constant 16 : index
      %get3A_820 = tpu.vector_load %arg11[%get3A_818, %get3A_819] {strides = array<i32>} : memref<512x32xf32, #tpu.memory_space<vmem>>, vector<16xf32>,
      %get3A_821 = arith.index_cast %add3A_814 : i32 to index
      %get3A_822 = arith.constant 0 : index
      %get3A_823 = tpu.vector_load %arg13[%get3A_821, %get3A_822] {strides = array<i32>} : memref<512x32xf32, #tpu.memory_space<vmem>>, vector<16xf32>,
      %get3A_824 = arith.index_cast %add3A_814 : i32 to index
      %get3A_825 = arith.constant 16 : index
      %get3A_826 = tpu.vector_load %arg13[%get3A_824, %get3A_825] {strides = array<i32>} : memref<512x32xf32, #tpu.memory_space<vmem>>, vector<16xf32>,
      %get3A_827 = arith.index_cast %add3A_814 : i32 to index
      %get3A_828 = arith.constant 0 : index
      %get3A_829 = tpu.vector_load %arg12[%get3A_827, %get3A_828] {strides = array<i32>} : memref<512x32xf32, #tpu.memory_space<vmem>>, vector<16xf32>,
      %get3A_830 = arith.index_cast %add3A_814 : i32 to index
      %get3A_831 = arith.constant 16 : index
      %get3A_832 = tpu.vector_load %arg12[%get3A_830, %get3A_831] {strides = array<i32>} : memref<512x32xf32, #tpu.memory_space<vmem>>, vector<16xf32>,
      %eq3A_833 = arith.constant 10 : i32
      %eq3A_834 = vector.broadcast %eq3A_833 : i32 to vector<16xi32>
      %eq3A_835 = arith.cmpi eq, %iota3A, %eq3A_834 : vector<16xi32>
      %mul3A_836 = arith.mulf %get3A_817, %get3A_817 : vector<16xf32>
      %mul3A_837 = arith.mulf %get3A_820, %get3A_820 : vector<16xf32>
      %add3A_838 = arith.addf %mul3A_836, %mul3A_837 : vector<16xf32>
      %reduce_sum3A_839 = arith.constant true
      %reduce_sum3A_840 = vector.broadcast %reduce_sum3A_839 : i1 to vector<16xi1>
      %reduce_sum3A_841 = tpu.scan <sum>, %add3A_838 masked %reduce_sum3A_840 : vector<16xf32>, vector<16xi1> -> vector<16xf32>
      %reduce_sum3A_842 = vector.extract %reduce_sum3A_841[15] : f32 from vector<16xf32>
      %broadcast_in_dim3A_843 = vector.broadcast %reduce_sum3A_842 : f32 to vector<16xf32>
      %select_n3A_844 = arith.select %eq3A_835, %broadcast_in_dim3A_843, %select_n3A_765 : vector<16xi1>, vector<16xf32>
      %mul3A_845 = arith.mulf %get3A_823, %get3A_823 : vector<16xf32>
      %mul3A_846 = arith.mulf %get3A_826, %get3A_826 : vector<16xf32>
      %add3A_847 = arith.addf %mul3A_845, %mul3A_846 : vector<16xf32>
      %reduce_sum3A_848 = arith.constant true
      %reduce_sum3A_849 = vector.broadcast %reduce_sum3A_848 : i1 to vector<16xi1>
      %reduce_sum3A_850 = tpu.scan <sum>, %add3A_847 masked %reduce_sum3A_849 : vector<16xf32>, vector<16xi1> -> vector<16xf32>
      %reduce_sum3A_851 = vector.extract %reduce_sum3A_850[15] : f32 from vector<16xf32>
      %broadcast_in_dim3A_852 = vector.broadcast %reduce_sum3A_851 : f32 to vector<16xf32>
      %select_n3A_853 = arith.select %eq3A_835, %broadcast_in_dim3A_852, %select_n3A_774 : vector<16xi1>, vector<16xf32>
      %mul3A_854 = arith.mulf %get3A_829, %get3A_829 : vector<16xf32>
      %mul3A_855 = arith.mulf %get3A_832, %get3A_832 : vector<16xf32>
      %add3A_856 = arith.addf %mul3A_854, %mul3A_855 : vector<16xf32>
      %reduce_sum3A_857 = arith.constant true
      %reduce_sum3A_858 = vector.broadcast %reduce_sum3A_857 : i1 to vector<16xi1>
      %reduce_sum3A_859 = tpu.scan <sum>, %add3A_856 masked %reduce_sum3A_858 : vector<16xf32>, vector<16xi1> -> vector<16xf32>
      %reduce_sum3A_860 = vector.extract %reduce_sum3A_859[15] : f32 from vector<16xf32>
      %broadcast_in_dim3A_861 = vector.broadcast %reduce_sum3A_860 : f32 to vector<16xf32>
      %select_n3A_862 = arith.select %eq3A_835, %broadcast_in_dim3A_861, %select_n3A_783 : vector<16xi1>, vector<16xf32>
      %mul3A_863 = arith.mulf %get3A_817, %get3A_829 : vector<16xf32>
      %mul3A_864 = arith.mulf %get3A_820, %get3A_832 : vector<16xf32>
      %add3A_865 = arith.addf %mul3A_863, %mul3A_864 : vector<16xf32>
      %reduce_sum3A_866 = arith.constant true
      %reduce_sum3A_867 = vector.broadcast %reduce_sum3A_866 : i1 to vector<16xi1>
      %reduce_sum3A_868 = tpu.scan <sum>, %add3A_865 masked %reduce_sum3A_867 : vector<16xf32>, vector<16xi1> -> vector<16xf32>
      %reduce_sum3A_869 = vector.extract %reduce_sum3A_868[15] : f32 from vector<16xf32>
      %broadcast_in_dim3A_870 = vector.broadcast %reduce_sum3A_869 : f32 to vector<16xf32>
      %select_n3A_871 = arith.select %eq3A_835, %broadcast_in_dim3A_870, %select_n3A_792 : vector<16xi1>, vector<16xf32>
      %mul3A_872 = arith.mulf %get3A_817, %get3A_823 : vector<16xf32>
      %mul3A_873 = arith.mulf %get3A_820, %get3A_826 : vector<16xf32>
      %add3A_874 = arith.addf %mul3A_872, %mul3A_873 : vector<16xf32>
      %reduce_sum3A_875 = arith.constant true
      %reduce_sum3A_876 = vector.broadcast %reduce_sum3A_875 : i1 to vector<16xi1>
      %reduce_sum3A_877 = tpu.scan <sum>, %add3A_874 masked %reduce_sum3A_876 : vector<16xf32>, vector<16xi1> -> vector<16xf32>
      %reduce_sum3A_878 = vector.extract %reduce_sum3A_877[15] : f32 from vector<16xf32>
      %broadcast_in_dim3A_879 = vector.broadcast %reduce_sum3A_878 : f32 to vector<16xf32>
      %select_n3A_880 = arith.select %eq3A_835, %broadcast_in_dim3A_879, %select_n3A_801 : vector<16xi1>, vector<16xf32>
      %mul3A_881 = arith.mulf %get3A_829, %get3A_823 : vector<16xf32>
      %mul3A_882 = arith.mulf %get3A_832, %get3A_826 : vector<16xf32>
      %add3A_883 = arith.addf %mul3A_881, %mul3A_882 : vector<16xf32>
      %reduce_sum3A_884 = arith.constant true
      %reduce_sum3A_885 = vector.broadcast %reduce_sum3A_884 : i1 to vector<16xi1>
      %reduce_sum3A_886 = tpu.scan <sum>, %add3A_883 masked %reduce_sum3A_885 : vector<16xf32>, vector<16xi1> -> vector<16xf32>
      %reduce_sum3A_887 = vector.extract %reduce_sum3A_886[15] : f32 from vector<16xf32>
      %broadcast_in_dim3A_888 = vector.broadcast %reduce_sum3A_887 : f32 to vector<16xf32>
      %select_n3A_889 = arith.select %eq3A_835, %broadcast_in_dim3A_888, %select_n3A_810 : vector<16xi1>, vector<16xf32>
      %mul3A_890 = arith.constant 16 : i32
      %mul3A_891 = arith.muli %scan3A_24, %mul3A_890 : i32
      %add3A_892 = arith.constant 11 : i32
      %add3A_893 = arith.addi %mul3A_891, %add3A_892 : i32
      %get3A_894 = arith.index_cast %add3A_893 : i32 to index
      %get3A_895 = arith.constant 0 : index
      %get3A_896 = tpu.vector_load %arg11[%get3A_894, %get3A_895] {strides = array<i32>} : memref<512x32xf32, #tpu.memory_space<vmem>>, vector<16xf32>,
      %get3A_897 = arith.index_cast %add3A_893 : i32 to index
      %get3A_898 = arith.constant 16 : index
      %get3A_899 = tpu.vector_load %arg11[%get3A_897, %get3A_898] {strides = array<i32>} : memref<512x32xf32, #tpu.memory_space<vmem>>, vector<16xf32>,
      %get3A_900 = arith.index_cast %add3A_893 : i32 to index
      %get3A_901 = arith.constant 0 : index
      %get3A_902 = tpu.vector_load %arg13[%get3A_900, %get3A_901] {strides = array<i32>} : memref<512x32xf32, #tpu.memory_space<vmem>>, vector<16xf32>,
      %get3A_903 = arith.index_cast %add3A_893 : i32 to index
      %get3A_904 = arith.constant 16 : index
      %get3A_905 = tpu.vector_load %arg13[%get3A_903, %get3A_904] {strides = array<i32>} : memref<512x32xf32, #tpu.memory_space<vmem>>, vector<16xf32>,
      %get3A_906 = arith.index_cast %add3A_893 : i32 to index
      %get3A_907 = arith.constant 0 : index
      %get3A_908 = tpu.vector_load %arg12[%get3A_906, %get3A_907] {strides = array<i32>} : memref<512x32xf32, #tpu.memory_space<vmem>>, vector<16xf32>,
      %get3A_909 = arith.index_cast %add3A_893 : i32 to index
      %get3A_910 = arith.constant 16 : index
      %get3A_911 = tpu.vector_load %arg12[%get3A_909, %get3A_910] {strides = array<i32>} : memref<512x32xf32, #tpu.memory_space<vmem>>, vector<16xf32>,
      %eq3A_912 = arith.constant 11 : i32
      %eq3A_913 = vector.broadcast %eq3A_912 : i32 to vector<16xi32>
      %eq3A_914 = arith.cmpi eq, %iota3A, %eq3A_913 : vector<16xi32>
      %mul3A_915 = arith.mulf %get3A_896, %get3A_896 : vector<16xf32>
      %mul3A_916 = arith.mulf %get3A_899, %get3A_899 : vector<16xf32>
      %add3A_917 = arith.addf %mul3A_915, %mul3A_916 : vector<16xf32>
      %reduce_sum3A_918 = arith.constant true
      %reduce_sum3A_919 = vector.broadcast %reduce_sum3A_918 : i1 to vector<16xi1>
      %reduce_sum3A_920 = tpu.scan <sum>, %add3A_917 masked %reduce_sum3A_919 : vector<16xf32>, vector<16xi1> -> vector<16xf32>
      %reduce_sum3A_921 = vector.extract %reduce_sum3A_920[15] : f32 from vector<16xf32>
      %broadcast_in_dim3A_922 = vector.broadcast %reduce_sum3A_921 : f32 to vector<16xf32>
      %select_n3A_923 = arith.select %eq3A_914, %broadcast_in_dim3A_922, %select_n3A_844 : vector<16xi1>, vector<16xf32>
      %mul3A_924 = arith.mulf %get3A_902, %get3A_902 : vector<16xf32>
      %mul3A_925 = arith.mulf %get3A_905, %get3A_905 : vector<16xf32>
      %add3A_926 = arith.addf %mul3A_924, %mul3A_925 : vector<16xf32>
      %reduce_sum3A_927 = arith.constant true
      %reduce_sum3A_928 = vector.broadcast %reduce_sum3A_927 : i1 to vector<16xi1>
      %reduce_sum3A_929 = tpu.scan <sum>, %add3A_926 masked %reduce_sum3A_928 : vector<16xf32>, vector<16xi1> -> vector<16xf32>
      %reduce_sum3A_930 = vector.extract %reduce_sum3A_929[15] : f32 from vector<16xf32>
      %broadcast_in_dim3A_931 = vector.broadcast %reduce_sum3A_930 : f32 to vector<16xf32>
      %select_n3A_932 = arith.select %eq3A_914, %broadcast_in_dim3A_931, %select_n3A_853 : vector<16xi1>, vector<16xf32>
      %mul3A_933 = arith.mulf %get3A_908, %get3A_908 : vector<16xf32>
      %mul3A_934 = arith.mulf %get3A_911, %get3A_911 : vector<16xf32>
      %add3A_935 = arith.addf %mul3A_933, %mul3A_934 : vector<16xf32>
      %reduce_sum3A_936 = arith.constant true
      %reduce_sum3A_937 = vector.broadcast %reduce_sum3A_936 : i1 to vector<16xi1>
      %reduce_sum3A_938 = tpu.scan <sum>, %add3A_935 masked %reduce_sum3A_937 : vector<16xf32>, vector<16xi1> -> vector<16xf32>
      %reduce_sum3A_939 = vector.extract %reduce_sum3A_938[15] : f32 from vector<16xf32>
      %broadcast_in_dim3A_940 = vector.broadcast %reduce_sum3A_939 : f32 to vector<16xf32>
      %select_n3A_941 = arith.select %eq3A_914, %broadcast_in_dim3A_940, %select_n3A_862 : vector<16xi1>, vector<16xf32>
      %mul3A_942 = arith.mulf %get3A_896, %get3A_908 : vector<16xf32>
      %mul3A_943 = arith.mulf %get3A_899, %get3A_911 : vector<16xf32>
      %add3A_944 = arith.addf %mul3A_942, %mul3A_943 : vector<16xf32>
      %reduce_sum3A_945 = arith.constant true
      %reduce_sum3A_946 = vector.broadcast %reduce_sum3A_945 : i1 to vector<16xi1>
      %reduce_sum3A_947 = tpu.scan <sum>, %add3A_944 masked %reduce_sum3A_946 : vector<16xf32>, vector<16xi1> -> vector<16xf32>
      %reduce_sum3A_948 = vector.extract %reduce_sum3A_947[15] : f32 from vector<16xf32>
      %broadcast_in_dim3A_949 = vector.broadcast %reduce_sum3A_948 : f32 to vector<16xf32>
      %select_n3A_950 = arith.select %eq3A_914, %broadcast_in_dim3A_949, %select_n3A_871 : vector<16xi1>, vector<16xf32>
      %mul3A_951 = arith.mulf %get3A_896, %get3A_902 : vector<16xf32>
      %mul3A_952 = arith.mulf %get3A_899, %get3A_905 : vector<16xf32>
      %add3A_953 = arith.addf %mul3A_951, %mul3A_952 : vector<16xf32>
      %reduce_sum3A_954 = arith.constant true
      %reduce_sum3A_955 = vector.broadcast %reduce_sum3A_954 : i1 to vector<16xi1>
      %reduce_sum3A_956 = tpu.scan <sum>, %add3A_953 masked %reduce_sum3A_955 : vector<16xf32>, vector<16xi1> -> vector<16xf32>
      %reduce_sum3A_957 = vector.extract %reduce_sum3A_956[15] : f32 from vector<16xf32>
      %broadcast_in_dim3A_958 = vector.broadcast %reduce_sum3A_957 : f32 to vector<16xf32>
      %select_n3A_959 = arith.select %eq3A_914, %broadcast_in_dim3A_958, %select_n3A_880 : vector<16xi1>, vector<16xf32>
      %mul3A_960 = arith.mulf %get3A_908, %get3A_902 : vector<16xf32>
      %mul3A_961 = arith.mulf %get3A_911, %get3A_905 : vector<16xf32>
      %add3A_962 = arith.addf %mul3A_960, %mul3A_961 : vector<16xf32>
      %reduce_sum3A_963 = arith.constant true
      %reduce_sum3A_964 = vector.broadcast %reduce_sum3A_963 : i1 to vector<16xi1>
      %reduce_sum3A_965 = tpu.scan <sum>, %add3A_962 masked %reduce_sum3A_964 : vector<16xf32>, vector<16xi1> -> vector<16xf32>
      %reduce_sum3A_966 = vector.extract %reduce_sum3A_965[15] : f32 from vector<16xf32>
      %broadcast_in_dim3A_967 = vector.broadcast %reduce_sum3A_966 : f32 to vector<16xf32>
      %select_n3A_968 = arith.select %eq3A_914, %broadcast_in_dim3A_967, %select_n3A_889 : vector<16xi1>, vector<16xf32>
      %mul3A_969 = arith.constant 16 : i32
      %mul3A_970 = arith.muli %scan3A_24, %mul3A_969 : i32
      %add3A_971 = arith.constant 12 : i32
      %add3A_972 = arith.addi %mul3A_970, %add3A_971 : i32
      %get3A_973 = arith.index_cast %add3A_972 : i32 to index
      %get3A_974 = arith.constant 0 : index
      %get3A_975 = tpu.vector_load %arg11[%get3A_973, %get3A_974] {strides = array<i32>} : memref<512x32xf32, #tpu.memory_space<vmem>>, vector<16xf32>,
      %get3A_976 = arith.index_cast %add3A_972 : i32 to index
      %get3A_977 = arith.constant 16 : index
      %get3A_978 = tpu.vector_load %arg11[%get3A_976, %get3A_977] {strides = array<i32>} : memref<512x32xf32, #tpu.memory_space<vmem>>, vector<16xf32>,
      %get3A_979 = arith.index_cast %add3A_972 : i32 to index
      %get3A_980 = arith.constant 0 : index
      %get3A_981 = tpu.vector_load %arg13[%get3A_979, %get3A_980] {strides = array<i32>} : memref<512x32xf32, #tpu.memory_space<vmem>>, vector<16xf32>,
      %get3A_982 = arith.index_cast %add3A_972 : i32 to index
      %get3A_983 = arith.constant 16 : index
      %get3A_984 = tpu.vector_load %arg13[%get3A_982, %get3A_983] {strides = array<i32>} : memref<512x32xf32, #tpu.memory_space<vmem>>, vector<16xf32>,
      %get3A_985 = arith.index_cast %add3A_972 : i32 to index
      %get3A_986 = arith.constant 0 : index
      %get3A_987 = tpu.vector_load %arg12[%get3A_985, %get3A_986] {strides = array<i32>} : memref<512x32xf32, #tpu.memory_space<vmem>>, vector<16xf32>,
      %get3A_988 = arith.index_cast %add3A_972 : i32 to index
      %get3A_989 = arith.constant 16 : index
      %get3A_990 = tpu.vector_load %arg12[%get3A_988, %get3A_989] {strides = array<i32>} : memref<512x32xf32, #tpu.memory_space<vmem>>, vector<16xf32>,
      %eq3A_991 = arith.constant 12 : i32
      %eq3A_992 = vector.broadcast %eq3A_991 : i32 to vector<16xi32>
      %eq3A_993 = arith.cmpi eq, %iota3A, %eq3A_992 : vector<16xi32>
      %mul3A_994 = arith.mulf %get3A_975, %get3A_975 : vector<16xf32>
      %mul3A_995 = arith.mulf %get3A_978, %get3A_978 : vector<16xf32>
      %add3A_996 = arith.addf %mul3A_994, %mul3A_995 : vector<16xf32>
      %reduce_sum3A_997 = arith.constant true
      %reduce_sum3A_998 = vector.broadcast %reduce_sum3A_997 : i1 to vector<16xi1>
      %reduce_sum3A_999 = tpu.scan <sum>, %add3A_996 masked %reduce_sum3A_998 : vector<16xf32>, vector<16xi1> -> vector<16xf32>
      %reduce_sum3A_1000 = vector.extract %reduce_sum3A_999[15] : f32 from vector<16xf32>
      %broadcast_in_dim3A_1001 = vector.broadcast %reduce_sum3A_1000 : f32 to vector<16xf32>
      %select_n3A_1002 = arith.select %eq3A_993, %broadcast_in_dim3A_1001, %select_n3A_923 : vector<16xi1>, vector<16xf32>
      %mul3A_1003 = arith.mulf %get3A_981, %get3A_981 : vector<16xf32>
      %mul3A_1004 = arith.mulf %get3A_984, %get3A_984 : vector<16xf32>
      %add3A_1005 = arith.addf %mul3A_1003, %mul3A_1004 : vector<16xf32>
      %reduce_sum3A_1006 = arith.constant true
      %reduce_sum3A_1007 = vector.broadcast %reduce_sum3A_1006 : i1 to vector<16xi1>
      %reduce_sum3A_1008 = tpu.scan <sum>, %add3A_1005 masked %reduce_sum3A_1007 : vector<16xf32>, vector<16xi1> -> vector<16xf32>
      %reduce_sum3A_1009 = vector.extract %reduce_sum3A_1008[15] : f32 from vector<16xf32>
      %broadcast_in_dim3A_1010 = vector.broadcast %reduce_sum3A_1009 : f32 to vector<16xf32>
      %select_n3A_1011 = arith.select %eq3A_993, %broadcast_in_dim3A_1010, %select_n3A_932 : vector<16xi1>, vector<16xf32>
      %mul3A_1012 = arith.mulf %get3A_987, %get3A_987 : vector<16xf32>
      %mul3A_1013 = arith.mulf %get3A_990, %get3A_990 : vector<16xf32>
      %add3A_1014 = arith.addf %mul3A_1012, %mul3A_1013 : vector<16xf32>
      %reduce_sum3A_1015 = arith.constant true
      %reduce_sum3A_1016 = vector.broadcast %reduce_sum3A_1015 : i1 to vector<16xi1>
      %reduce_sum3A_1017 = tpu.scan <sum>, %add3A_1014 masked %reduce_sum3A_1016 : vector<16xf32>, vector<16xi1> -> vector<16xf32>
      %reduce_sum3A_1018 = vector.extract %reduce_sum3A_1017[15] : f32 from vector<16xf32>
      %broadcast_in_dim3A_1019 = vector.broadcast %reduce_sum3A_1018 : f32 to vector<16xf32>
      %select_n3A_1020 = arith.select %eq3A_993, %broadcast_in_dim3A_1019, %select_n3A_941 : vector<16xi1>, vector<16xf32>
      %mul3A_1021 = arith.mulf %get3A_975, %get3A_987 : vector<16xf32>
      %mul3A_1022 = arith.mulf %get3A_978, %get3A_990 : vector<16xf32>
      %add3A_1023 = arith.addf %mul3A_1021, %mul3A_1022 : vector<16xf32>
      %reduce_sum3A_1024 = arith.constant true
      %reduce_sum3A_1025 = vector.broadcast %reduce_sum3A_1024 : i1 to vector<16xi1>
      %reduce_sum3A_1026 = tpu.scan <sum>, %add3A_1023 masked %reduce_sum3A_1025 : vector<16xf32>, vector<16xi1> -> vector<16xf32>
      %reduce_sum3A_1027 = vector.extract %reduce_sum3A_1026[15] : f32 from vector<16xf32>
      %broadcast_in_dim3A_1028 = vector.broadcast %reduce_sum3A_1027 : f32 to vector<16xf32>
      %select_n3A_1029 = arith.select %eq3A_993, %broadcast_in_dim3A_1028, %select_n3A_950 : vector<16xi1>, vector<16xf32>
      %mul3A_1030 = arith.mulf %get3A_975, %get3A_981 : vector<16xf32>
      %mul3A_1031 = arith.mulf %get3A_978, %get3A_984 : vector<16xf32>
      %add3A_1032 = arith.addf %mul3A_1030, %mul3A_1031 : vector<16xf32>
      %reduce_sum3A_1033 = arith.constant true
      %reduce_sum3A_1034 = vector.broadcast %reduce_sum3A_1033 : i1 to vector<16xi1>
      %reduce_sum3A_1035 = tpu.scan <sum>, %add3A_1032 masked %reduce_sum3A_1034 : vector<16xf32>, vector<16xi1> -> vector<16xf32>
      %reduce_sum3A_1036 = vector.extract %reduce_sum3A_1035[15] : f32 from vector<16xf32>
      %broadcast_in_dim3A_1037 = vector.broadcast %reduce_sum3A_1036 : f32 to vector<16xf32>
      %select_n3A_1038 = arith.select %eq3A_993, %broadcast_in_dim3A_1037, %select_n3A_959 : vector<16xi1>, vector<16xf32>
      %mul3A_1039 = arith.mulf %get3A_987, %get3A_981 : vector<16xf32>
      %mul3A_1040 = arith.mulf %get3A_990, %get3A_984 : vector<16xf32>
      %add3A_1041 = arith.addf %mul3A_1039, %mul3A_1040 : vector<16xf32>
      %reduce_sum3A_1042 = arith.constant true
      %reduce_sum3A_1043 = vector.broadcast %reduce_sum3A_1042 : i1 to vector<16xi1>
      %reduce_sum3A_1044 = tpu.scan <sum>, %add3A_1041 masked %reduce_sum3A_1043 : vector<16xf32>, vector<16xi1> -> vector<16xf32>
      %reduce_sum3A_1045 = vector.extract %reduce_sum3A_1044[15] : f32 from vector<16xf32>
      %broadcast_in_dim3A_1046 = vector.broadcast %reduce_sum3A_1045 : f32 to vector<16xf32>
      %select_n3A_1047 = arith.select %eq3A_993, %broadcast_in_dim3A_1046, %select_n3A_968 : vector<16xi1>, vector<16xf32>
      %mul3A_1048 = arith.constant 16 : i32
      %mul3A_1049 = arith.muli %scan3A_24, %mul3A_1048 : i32
      %add3A_1050 = arith.constant 13 : i32
      %add3A_1051 = arith.addi %mul3A_1049, %add3A_1050 : i32
      %get3A_1052 = arith.index_cast %add3A_1051 : i32 to index
      %get3A_1053 = arith.constant 0 : index
      %get3A_1054 = tpu.vector_load %arg11[%get3A_1052, %get3A_1053] {strides = array<i32>} : memref<512x32xf32, #tpu.memory_space<vmem>>, vector<16xf32>,
      %get3A_1055 = arith.index_cast %add3A_1051 : i32 to index
      %get3A_1056 = arith.constant 16 : index
      %get3A_1057 = tpu.vector_load %arg11[%get3A_1055, %get3A_1056] {strides = array<i32>} : memref<512x32xf32, #tpu.memory_space<vmem>>, vector<16xf32>,
      %get3A_1058 = arith.index_cast %add3A_1051 : i32 to index
      %get3A_1059 = arith.constant 0 : index
      %get3A_1060 = tpu.vector_load %arg13[%get3A_1058, %get3A_1059] {strides = array<i32>} : memref<512x32xf32, #tpu.memory_space<vmem>>, vector<16xf32>,
      %get3A_1061 = arith.index_cast %add3A_1051 : i32 to index
      %get3A_1062 = arith.constant 16 : index
      %get3A_1063 = tpu.vector_load %arg13[%get3A_1061, %get3A_1062] {strides = array<i32>} : memref<512x32xf32, #tpu.memory_space<vmem>>, vector<16xf32>,
      %get3A_1064 = arith.index_cast %add3A_1051 : i32 to index
      %get3A_1065 = arith.constant 0 : index
      %get3A_1066 = tpu.vector_load %arg12[%get3A_1064, %get3A_1065] {strides = array<i32>} : memref<512x32xf32, #tpu.memory_space<vmem>>, vector<16xf32>,
      %get3A_1067 = arith.index_cast %add3A_1051 : i32 to index
      %get3A_1068 = arith.constant 16 : index
      %get3A_1069 = tpu.vector_load %arg12[%get3A_1067, %get3A_1068] {strides = array<i32>} : memref<512x32xf32, #tpu.memory_space<vmem>>, vector<16xf32>,
      %eq3A_1070 = arith.constant 13 : i32
      %eq3A_1071 = vector.broadcast %eq3A_1070 : i32 to vector<16xi32>
      %eq3A_1072 = arith.cmpi eq, %iota3A, %eq3A_1071 : vector<16xi32>
      %mul3A_1073 = arith.mulf %get3A_1054, %get3A_1054 : vector<16xf32>
      %mul3A_1074 = arith.mulf %get3A_1057, %get3A_1057 : vector<16xf32>
      %add3A_1075 = arith.addf %mul3A_1073, %mul3A_1074 : vector<16xf32>
      %reduce_sum3A_1076 = arith.constant true
      %reduce_sum3A_1077 = vector.broadcast %reduce_sum3A_1076 : i1 to vector<16xi1>
      %reduce_sum3A_1078 = tpu.scan <sum>, %add3A_1075 masked %reduce_sum3A_1077 : vector<16xf32>, vector<16xi1> -> vector<16xf32>
      %reduce_sum3A_1079 = vector.extract %reduce_sum3A_1078[15] : f32 from vector<16xf32>
      %broadcast_in_dim3A_1080 = vector.broadcast %reduce_sum3A_1079 : f32 to vector<16xf32>
      %select_n3A_1081 = arith.select %eq3A_1072, %broadcast_in_dim3A_1080, %select_n3A_1002 : vector<16xi1>, vector<16xf32>
      %mul3A_1082 = arith.mulf %get3A_1060, %get3A_1060 : vector<16xf32>
      %mul3A_1083 = arith.mulf %get3A_1063, %get3A_1063 : vector<16xf32>
      %add3A_1084 = arith.addf %mul3A_1082, %mul3A_1083 : vector<16xf32>
      %reduce_sum3A_1085 = arith.constant true
      %reduce_sum3A_1086 = vector.broadcast %reduce_sum3A_1085 : i1 to vector<16xi1>
      %reduce_sum3A_1087 = tpu.scan <sum>, %add3A_1084 masked %reduce_sum3A_1086 : vector<16xf32>, vector<16xi1> -> vector<16xf32>
      %reduce_sum3A_1088 = vector.extract %reduce_sum3A_1087[15] : f32 from vector<16xf32>
      %broadcast_in_dim3A_1089 = vector.broadcast %reduce_sum3A_1088 : f32 to vector<16xf32>
      %select_n3A_1090 = arith.select %eq3A_1072, %broadcast_in_dim3A_1089, %select_n3A_1011 : vector<16xi1>, vector<16xf32>
      %mul3A_1091 = arith.mulf %get3A_1066, %get3A_1066 : vector<16xf32>
      %mul3A_1092 = arith.mulf %get3A_1069, %get3A_1069 : vector<16xf32>
      %add3A_1093 = arith.addf %mul3A_1091, %mul3A_1092 : vector<16xf32>
      %reduce_sum3A_1094 = arith.constant true
      %reduce_sum3A_1095 = vector.broadcast %reduce_sum3A_1094 : i1 to vector<16xi1>
      %reduce_sum3A_1096 = tpu.scan <sum>, %add3A_1093 masked %reduce_sum3A_1095 : vector<16xf32>, vector<16xi1> -> vector<16xf32>
      %reduce_sum3A_1097 = vector.extract %reduce_sum3A_1096[15] : f32 from vector<16xf32>
      %broadcast_in_dim3A_1098 = vector.broadcast %reduce_sum3A_1097 : f32 to vector<16xf32>
      %select_n3A_1099 = arith.select %eq3A_1072, %broadcast_in_dim3A_1098, %select_n3A_1020 : vector<16xi1>, vector<16xf32>
      %mul3A_1100 = arith.mulf %get3A_1054, %get3A_1066 : vector<16xf32>
      %mul3A_1101 = arith.mulf %get3A_1057, %get3A_1069 : vector<16xf32>
      %add3A_1102 = arith.addf %mul3A_1100, %mul3A_1101 : vector<16xf32>
      %reduce_sum3A_1103 = arith.constant true
      %reduce_sum3A_1104 = vector.broadcast %reduce_sum3A_1103 : i1 to vector<16xi1>
      %reduce_sum3A_1105 = tpu.scan <sum>, %add3A_1102 masked %reduce_sum3A_1104 : vector<16xf32>, vector<16xi1> -> vector<16xf32>
      %reduce_sum3A_1106 = vector.extract %reduce_sum3A_1105[15] : f32 from vector<16xf32>
      %broadcast_in_dim3A_1107 = vector.broadcast %reduce_sum3A_1106 : f32 to vector<16xf32>
      %select_n3A_1108 = arith.select %eq3A_1072, %broadcast_in_dim3A_1107, %select_n3A_1029 : vector<16xi1>, vector<16xf32>
      %mul3A_1109 = arith.mulf %get3A_1054, %get3A_1060 : vector<16xf32>
      %mul3A_1110 = arith.mulf %get3A_1057, %get3A_1063 : vector<16xf32>
      %add3A_1111 = arith.addf %mul3A_1109, %mul3A_1110 : vector<16xf32>
      %reduce_sum3A_1112 = arith.constant true
      %reduce_sum3A_1113 = vector.broadcast %reduce_sum3A_1112 : i1 to vector<16xi1>
      %reduce_sum3A_1114 = tpu.scan <sum>, %add3A_1111 masked %reduce_sum3A_1113 : vector<16xf32>, vector<16xi1> -> vector<16xf32>
      %reduce_sum3A_1115 = vector.extract %reduce_sum3A_1114[15] : f32 from vector<16xf32>
      %broadcast_in_dim3A_1116 = vector.broadcast %reduce_sum3A_1115 : f32 to vector<16xf32>
      %select_n3A_1117 = arith.select %eq3A_1072, %broadcast_in_dim3A_1116, %select_n3A_1038 : vector<16xi1>, vector<16xf32>
      %mul3A_1118 = arith.mulf %get3A_1066, %get3A_1060 : vector<16xf32>
      %mul3A_1119 = arith.mulf %get3A_1069, %get3A_1063 : vector<16xf32>
      %add3A_1120 = arith.addf %mul3A_1118, %mul3A_1119 : vector<16xf32>
      %reduce_sum3A_1121 = arith.constant true
      %reduce_sum3A_1122 = vector.broadcast %reduce_sum3A_1121 : i1 to vector<16xi1>
      %reduce_sum3A_1123 = tpu.scan <sum>, %add3A_1120 masked %reduce_sum3A_1122 : vector<16xf32>, vector<16xi1> -> vector<16xf32>
      %reduce_sum3A_1124 = vector.extract %reduce_sum3A_1123[15] : f32 from vector<16xf32>
      %broadcast_in_dim3A_1125 = vector.broadcast %reduce_sum3A_1124 : f32 to vector<16xf32>
      %select_n3A_1126 = arith.select %eq3A_1072, %broadcast_in_dim3A_1125, %select_n3A_1047 : vector<16xi1>, vector<16xf32>
      %mul3A_1127 = arith.constant 16 : i32
      %mul3A_1128 = arith.muli %scan3A_24, %mul3A_1127 : i32
      %add3A_1129 = arith.constant 14 : i32
      %add3A_1130 = arith.addi %mul3A_1128, %add3A_1129 : i32
      %get3A_1131 = arith.index_cast %add3A_1130 : i32 to index
      %get3A_1132 = arith.constant 0 : index
      %get3A_1133 = tpu.vector_load %arg11[%get3A_1131, %get3A_1132] {strides = array<i32>} : memref<512x32xf32, #tpu.memory_space<vmem>>, vector<16xf32>,
      %get3A_1134 = arith.index_cast %add3A_1130 : i32 to index
      %get3A_1135 = arith.constant 16 : index
      %get3A_1136 = tpu.vector_load %arg11[%get3A_1134, %get3A_1135] {strides = array<i32>} : memref<512x32xf32, #tpu.memory_space<vmem>>, vector<16xf32>,
      %get3A_1137 = arith.index_cast %add3A_1130 : i32 to index
      %get3A_1138 = arith.constant 0 : index
      %get3A_1139 = tpu.vector_load %arg13[%get3A_1137, %get3A_1138] {strides = array<i32>} : memref<512x32xf32, #tpu.memory_space<vmem>>, vector<16xf32>,
      %get3A_1140 = arith.index_cast %add3A_1130 : i32 to index
      %get3A_1141 = arith.constant 16 : index
      %get3A_1142 = tpu.vector_load %arg13[%get3A_1140, %get3A_1141] {strides = array<i32>} : memref<512x32xf32, #tpu.memory_space<vmem>>, vector<16xf32>,
      %get3A_1143 = arith.index_cast %add3A_1130 : i32 to index
      %get3A_1144 = arith.constant 0 : index
      %get3A_1145 = tpu.vector_load %arg12[%get3A_1143, %get3A_1144] {strides = array<i32>} : memref<512x32xf32, #tpu.memory_space<vmem>>, vector<16xf32>,
      %get3A_1146 = arith.index_cast %add3A_1130 : i32 to index
      %get3A_1147 = arith.constant 16 : index
      %get3A_1148 = tpu.vector_load %arg12[%get3A_1146, %get3A_1147] {strides = array<i32>} : memref<512x32xf32, #tpu.memory_space<vmem>>, vector<16xf32>,
      %eq3A_1149 = arith.constant 14 : i32
      %eq3A_1150 = vector.broadcast %eq3A_1149 : i32 to vector<16xi32>
      %eq3A_1151 = arith.cmpi eq, %iota3A, %eq3A_1150 : vector<16xi32>
      %mul3A_1152 = arith.mulf %get3A_1133, %get3A_1133 : vector<16xf32>
      %mul3A_1153 = arith.mulf %get3A_1136, %get3A_1136 : vector<16xf32>
      %add3A_1154 = arith.addf %mul3A_1152, %mul3A_1153 : vector<16xf32>
      %reduce_sum3A_1155 = arith.constant true
      %reduce_sum3A_1156 = vector.broadcast %reduce_sum3A_1155 : i1 to vector<16xi1>
      %reduce_sum3A_1157 = tpu.scan <sum>, %add3A_1154 masked %reduce_sum3A_1156 : vector<16xf32>, vector<16xi1> -> vector<16xf32>
      %reduce_sum3A_1158 = vector.extract %reduce_sum3A_1157[15] : f32 from vector<16xf32>
      %broadcast_in_dim3A_1159 = vector.broadcast %reduce_sum3A_1158 : f32 to vector<16xf32>
      %select_n3A_1160 = arith.select %eq3A_1151, %broadcast_in_dim3A_1159, %select_n3A_1081 : vector<16xi1>, vector<16xf32>
      %mul3A_1161 = arith.mulf %get3A_1139, %get3A_1139 : vector<16xf32>
      %mul3A_1162 = arith.mulf %get3A_1142, %get3A_1142 : vector<16xf32>
      %add3A_1163 = arith.addf %mul3A_1161, %mul3A_1162 : vector<16xf32>
      %reduce_sum3A_1164 = arith.constant true
      %reduce_sum3A_1165 = vector.broadcast %reduce_sum3A_1164 : i1 to vector<16xi1>
      %reduce_sum3A_1166 = tpu.scan <sum>, %add3A_1163 masked %reduce_sum3A_1165 : vector<16xf32>, vector<16xi1> -> vector<16xf32>
      %reduce_sum3A_1167 = vector.extract %reduce_sum3A_1166[15] : f32 from vector<16xf32>
      %broadcast_in_dim3A_1168 = vector.broadcast %reduce_sum3A_1167 : f32 to vector<16xf32>
      %select_n3A_1169 = arith.select %eq3A_1151, %broadcast_in_dim3A_1168, %select_n3A_1090 : vector<16xi1>, vector<16xf32>
      %mul3A_1170 = arith.mulf %get3A_1145, %get3A_1145 : vector<16xf32>
      %mul3A_1171 = arith.mulf %get3A_1148, %get3A_1148 : vector<16xf32>
      %add3A_1172 = arith.addf %mul3A_1170, %mul3A_1171 : vector<16xf32>
      %reduce_sum3A_1173 = arith.constant true
      %reduce_sum3A_1174 = vector.broadcast %reduce_sum3A_1173 : i1 to vector<16xi1>
      %reduce_sum3A_1175 = tpu.scan <sum>, %add3A_1172 masked %reduce_sum3A_1174 : vector<16xf32>, vector<16xi1> -> vector<16xf32>
      %reduce_sum3A_1176 = vector.extract %reduce_sum3A_1175[15] : f32 from vector<16xf32>
      %broadcast_in_dim3A_1177 = vector.broadcast %reduce_sum3A_1176 : f32 to vector<16xf32>
      %select_n3A_1178 = arith.select %eq3A_1151, %broadcast_in_dim3A_1177, %select_n3A_1099 : vector<16xi1>, vector<16xf32>
      %mul3A_1179 = arith.mulf %get3A_1133, %get3A_1145 : vector<16xf32>
      %mul3A_1180 = arith.mulf %get3A_1136, %get3A_1148 : vector<16xf32>
      %add3A_1181 = arith.addf %mul3A_1179, %mul3A_1180 : vector<16xf32>
      %reduce_sum3A_1182 = arith.constant true
      %reduce_sum3A_1183 = vector.broadcast %reduce_sum3A_1182 : i1 to vector<16xi1>
      %reduce_sum3A_1184 = tpu.scan <sum>, %add3A_1181 masked %reduce_sum3A_1183 : vector<16xf32>, vector<16xi1> -> vector<16xf32>
      %reduce_sum3A_1185 = vector.extract %reduce_sum3A_1184[15] : f32 from vector<16xf32>
      %broadcast_in_dim3A_1186 = vector.broadcast %reduce_sum3A_1185 : f32 to vector<16xf32>
      %select_n3A_1187 = arith.select %eq3A_1151, %broadcast_in_dim3A_1186, %select_n3A_1108 : vector<16xi1>, vector<16xf32>
      %mul3A_1188 = arith.mulf %get3A_1133, %get3A_1139 : vector<16xf32>
      %mul3A_1189 = arith.mulf %get3A_1136, %get3A_1142 : vector<16xf32>
      %add3A_1190 = arith.addf %mul3A_1188, %mul3A_1189 : vector<16xf32>
      %reduce_sum3A_1191 = arith.constant true
      %reduce_sum3A_1192 = vector.broadcast %reduce_sum3A_1191 : i1 to vector<16xi1>
      %reduce_sum3A_1193 = tpu.scan <sum>, %add3A_1190 masked %reduce_sum3A_1192 : vector<16xf32>, vector<16xi1> -> vector<16xf32>
      %reduce_sum3A_1194 = vector.extract %reduce_sum3A_1193[15] : f32 from vector<16xf32>
      %broadcast_in_dim3A_1195 = vector.broadcast %reduce_sum3A_1194 : f32 to vector<16xf32>
      %select_n3A_1196 = arith.select %eq3A_1151, %broadcast_in_dim3A_1195, %select_n3A_1117 : vector<16xi1>, vector<16xf32>
      %mul3A_1197 = arith.mulf %get3A_1145, %get3A_1139 : vector<16xf32>
      %mul3A_1198 = arith.mulf %get3A_1148, %get3A_1142 : vector<16xf32>
      %add3A_1199 = arith.addf %mul3A_1197, %mul3A_1198 : vector<16xf32>
      %reduce_sum3A_1200 = arith.constant true
      %reduce_sum3A_1201 = vector.broadcast %reduce_sum3A_1200 : i1 to vector<16xi1>
      %reduce_sum3A_1202 = tpu.scan <sum>, %add3A_1199 masked %reduce_sum3A_1201 : vector<16xf32>, vector<16xi1> -> vector<16xf32>
      %reduce_sum3A_1203 = vector.extract %reduce_sum3A_1202[15] : f32 from vector<16xf32>
      %broadcast_in_dim3A_1204 = vector.broadcast %reduce_sum3A_1203 : f32 to vector<16xf32>
      %select_n3A_1205 = arith.select %eq3A_1151, %broadcast_in_dim3A_1204, %select_n3A_1126 : vector<16xi1>, vector<16xf32>
      %mul3A_1206 = arith.constant 16 : i32
      %mul3A_1207 = arith.muli %scan3A_24, %mul3A_1206 : i32
      %add3A_1208 = arith.constant 15 : i32
      %add3A_1209 = arith.addi %mul3A_1207, %add3A_1208 : i32
      %get3A_1210 = arith.index_cast %add3A_1209 : i32 to index
      %get3A_1211 = arith.constant 0 : index
      %get3A_1212 = tpu.vector_load %arg11[%get3A_1210, %get3A_1211] {strides = array<i32>} : memref<512x32xf32, #tpu.memory_space<vmem>>, vector<16xf32>,
      %get3A_1213 = arith.index_cast %add3A_1209 : i32 to index
      %get3A_1214 = arith.constant 16 : index
      %get3A_1215 = tpu.vector_load %arg11[%get3A_1213, %get3A_1214] {strides = array<i32>} : memref<512x32xf32, #tpu.memory_space<vmem>>, vector<16xf32>,
      %get3A_1216 = arith.index_cast %add3A_1209 : i32 to index
      %get3A_1217 = arith.constant 0 : index
      %get3A_1218 = tpu.vector_load %arg13[%get3A_1216, %get3A_1217] {strides = array<i32>} : memref<512x32xf32, #tpu.memory_space<vmem>>, vector<16xf32>,
      %get3A_1219 = arith.index_cast %add3A_1209 : i32 to index
      %get3A_1220 = arith.constant 16 : index
      %get3A_1221 = tpu.vector_load %arg13[%get3A_1219, %get3A_1220] {strides = array<i32>} : memref<512x32xf32, #tpu.memory_space<vmem>>, vector<16xf32>,
      %get3A_1222 = arith.index_cast %add3A_1209 : i32 to index
      %get3A_1223 = arith.constant 0 : index
      %get3A_1224 = tpu.vector_load %arg12[%get3A_1222, %get3A_1223] {strides = array<i32>} : memref<512x32xf32, #tpu.memory_space<vmem>>, vector<16xf32>,
      %get3A_1225 = arith.index_cast %add3A_1209 : i32 to index
      %get3A_1226 = arith.constant 16 : index
      %get3A_1227 = tpu.vector_load %arg12[%get3A_1225, %get3A_1226] {strides = array<i32>} : memref<512x32xf32, #tpu.memory_space<vmem>>, vector<16xf32>,
      %eq3A_1228 = arith.constant 15 : i32
      %eq3A_1229 = vector.broadcast %eq3A_1228 : i32 to vector<16xi32>
      %eq3A_1230 = arith.cmpi eq, %iota3A, %eq3A_1229 : vector<16xi32>
      %mul3A_1231 = arith.mulf %get3A_1212, %get3A_1212 : vector<16xf32>
      %mul3A_1232 = arith.mulf %get3A_1215, %get3A_1215 : vector<16xf32>
      %add3A_1233 = arith.addf %mul3A_1231, %mul3A_1232 : vector<16xf32>
      %reduce_sum3A_1234 = arith.constant true
      %reduce_sum3A_1235 = vector.broadcast %reduce_sum3A_1234 : i1 to vector<16xi1>
      %reduce_sum3A_1236 = tpu.scan <sum>, %add3A_1233 masked %reduce_sum3A_1235 : vector<16xf32>, vector<16xi1> -> vector<16xf32>
      %reduce_sum3A_1237 = vector.extract %reduce_sum3A_1236[15] : f32 from vector<16xf32>
      %broadcast_in_dim3A_1238 = vector.broadcast %reduce_sum3A_1237 : f32 to vector<16xf32>
      %select_n3A_1239 = arith.select %eq3A_1230, %broadcast_in_dim3A_1238, %select_n3A_1160 : vector<16xi1>, vector<16xf32>
      %mul3A_1240 = arith.mulf %get3A_1218, %get3A_1218 : vector<16xf32>
      %mul3A_1241 = arith.mulf %get3A_1221, %get3A_1221 : vector<16xf32>
      %add3A_1242 = arith.addf %mul3A_1240, %mul3A_1241 : vector<16xf32>
      %reduce_sum3A_1243 = arith.constant true
      %reduce_sum3A_1244 = vector.broadcast %reduce_sum3A_1243 : i1 to vector<16xi1>
      %reduce_sum3A_1245 = tpu.scan <sum>, %add3A_1242 masked %reduce_sum3A_1244 : vector<16xf32>, vector<16xi1> -> vector<16xf32>
      %reduce_sum3A_1246 = vector.extract %reduce_sum3A_1245[15] : f32 from vector<16xf32>
      %broadcast_in_dim3A_1247 = vector.broadcast %reduce_sum3A_1246 : f32 to vector<16xf32>
      %select_n3A_1248 = arith.select %eq3A_1230, %broadcast_in_dim3A_1247, %select_n3A_1169 : vector<16xi1>, vector<16xf32>
      %mul3A_1249 = arith.mulf %get3A_1224, %get3A_1224 : vector<16xf32>
      %mul3A_1250 = arith.mulf %get3A_1227, %get3A_1227 : vector<16xf32>
      %add3A_1251 = arith.addf %mul3A_1249, %mul3A_1250 : vector<16xf32>
      %reduce_sum3A_1252 = arith.constant true
      %reduce_sum3A_1253 = vector.broadcast %reduce_sum3A_1252 : i1 to vector<16xi1>
      %reduce_sum3A_1254 = tpu.scan <sum>, %add3A_1251 masked %reduce_sum3A_1253 : vector<16xf32>, vector<16xi1> -> vector<16xf32>
      %reduce_sum3A_1255 = vector.extract %reduce_sum3A_1254[15] : f32 from vector<16xf32>
      %broadcast_in_dim3A_1256 = vector.broadcast %reduce_sum3A_1255 : f32 to vector<16xf32>
      %select_n3A_1257 = arith.select %eq3A_1230, %broadcast_in_dim3A_1256, %select_n3A_1178 : vector<16xi1>, vector<16xf32>
      %mul3A_1258 = arith.mulf %get3A_1212, %get3A_1224 : vector<16xf32>
      %mul3A_1259 = arith.mulf %get3A_1215, %get3A_1227 : vector<16xf32>
      %add3A_1260 = arith.addf %mul3A_1258, %mul3A_1259 : vector<16xf32>
      %reduce_sum3A_1261 = arith.constant true
      %reduce_sum3A_1262 = vector.broadcast %reduce_sum3A_1261 : i1 to vector<16xi1>
      %reduce_sum3A_1263 = tpu.scan <sum>, %add3A_1260 masked %reduce_sum3A_1262 : vector<16xf32>, vector<16xi1> -> vector<16xf32>
      %reduce_sum3A_1264 = vector.extract %reduce_sum3A_1263[15] : f32 from vector<16xf32>
      %broadcast_in_dim3A_1265 = vector.broadcast %reduce_sum3A_1264 : f32 to vector<16xf32>
      %select_n3A_1266 = arith.select %eq3A_1230, %broadcast_in_dim3A_1265, %select_n3A_1187 : vector<16xi1>, vector<16xf32>
      %mul3A_1267 = arith.mulf %get3A_1212, %get3A_1218 : vector<16xf32>
      %mul3A_1268 = arith.mulf %get3A_1215, %get3A_1221 : vector<16xf32>
      %add3A_1269 = arith.addf %mul3A_1267, %mul3A_1268 : vector<16xf32>
      %reduce_sum3A_1270 = arith.constant true
      %reduce_sum3A_1271 = vector.broadcast %reduce_sum3A_1270 : i1 to vector<16xi1>
      %reduce_sum3A_1272 = tpu.scan <sum>, %add3A_1269 masked %reduce_sum3A_1271 : vector<16xf32>, vector<16xi1> -> vector<16xf32>
      %reduce_sum3A_1273 = vector.extract %reduce_sum3A_1272[15] : f32 from vector<16xf32>
      %broadcast_in_dim3A_1274 = vector.broadcast %reduce_sum3A_1273 : f32 to vector<16xf32>
      %select_n3A_1275 = arith.select %eq3A_1230, %broadcast_in_dim3A_1274, %select_n3A_1196 : vector<16xi1>, vector<16xf32>
      %mul3A_1276 = arith.mulf %get3A_1224, %get3A_1218 : vector<16xf32>
      %mul3A_1277 = arith.mulf %get3A_1227, %get3A_1221 : vector<16xf32>
      %add3A_1278 = arith.addf %mul3A_1276, %mul3A_1277 : vector<16xf32>
      %reduce_sum3A_1279 = arith.constant true
      %reduce_sum3A_1280 = vector.broadcast %reduce_sum3A_1279 : i1 to vector<16xi1>
      %reduce_sum3A_1281 = tpu.scan <sum>, %add3A_1278 masked %reduce_sum3A_1280 : vector<16xf32>, vector<16xi1> -> vector<16xf32>
      %reduce_sum3A_1282 = vector.extract %reduce_sum3A_1281[15] : f32 from vector<16xf32>
      %broadcast_in_dim3A_1283 = vector.broadcast %reduce_sum3A_1282 : f32 to vector<16xf32>
      %select_n3A_1284 = arith.select %eq3A_1230, %broadcast_in_dim3A_1283, %select_n3A_1205 : vector<16xi1>, vector<16xf32>
      %max3A = arith.constant 1.000000e-24 : f32
      %max3A_1285 = vector.broadcast %max3A : f32 to vector<16xf32>
      %max3A_1286 = arith.maximumf %select_n3A_1239, %max3A_1285 : vector<16xf32>
      %bitcast3A = vector.bitcast %max3A_1286 : vector<16xf32> to vector<16xi32>
      %shift_right_logical3A = arith.constant 1 : i32
      %shift_right_logical3A_1287 = vector.broadcast %shift_right_logical3A : i32 to vector<16xi32>
      %shift_right_logical3A_1288 = arith.shrui %bitcast3A, %shift_right_logical3A_1287 : vector<16xi32>
      %sub3A = arith.constant 1597463007 : i32
      %sub3A_1289 = vector.broadcast %sub3A : i32 to vector<16xi32>
      %sub3A_1290 = arith.subi %sub3A_1289, %shift_right_logical3A_1288 : vector<16xi32>
      %bitcast3A_1291 = vector.bitcast %sub3A_1290 : vector<16xi32> to vector<16xf32>
      %mul3A_1292 = arith.constant 5.000000e-01 : f32
      %mul3A_1293 = vector.broadcast %mul3A_1292 : f32 to vector<16xf32>
      %mul3A_1294 = arith.mulf %max3A_1286, %mul3A_1293 : vector<16xf32>
      %mul3A_1295 = arith.mulf %mul3A_1294, %bitcast3A_1291 : vector<16xf32>
      %mul3A_1296 = arith.mulf %mul3A_1295, %bitcast3A_1291 : vector<16xf32>
      %sub3A_1297 = arith.constant 1.500000e+00 : f32
      %sub3A_1298 = vector.broadcast %sub3A_1297 : f32 to vector<16xf32>
      %sub3A_1299 = arith.subf %sub3A_1298, %mul3A_1296 : vector<16xf32>
      %mul3A_1300 = arith.mulf %bitcast3A_1291, %sub3A_1299 : vector<16xf32>
      %mul3A_1301 = arith.mulf %mul3A_1294, %mul3A_1300 : vector<16xf32>
      %mul3A_1302 = arith.mulf %mul3A_1301, %mul3A_1300 : vector<16xf32>
      %sub3A_1303 = arith.constant 1.500000e+00 : f32
      %sub3A_1304 = vector.broadcast %sub3A_1303 : f32 to vector<16xf32>
      %sub3A_1305 = arith.subf %sub3A_1304, %mul3A_1302 : vector<16xf32>
      %mul3A_1306 = arith.mulf %mul3A_1300, %sub3A_1305 : vector<16xf32>
      %mul3A_1307 = arith.mulf %mul3A_1294, %mul3A_1306 : vector<16xf32>
      %mul3A_1308 = arith.mulf %mul3A_1307, %mul3A_1306 : vector<16xf32>
      %sub3A_1309 = arith.constant 1.500000e+00 : f32
      %sub3A_1310 = vector.broadcast %sub3A_1309 : f32 to vector<16xf32>
      %sub3A_1311 = arith.subf %sub3A_1310, %mul3A_1308 : vector<16xf32>
      %mul3A_1312 = arith.mulf %mul3A_1306, %sub3A_1311 : vector<16xf32>
      %max3A_1313 = arith.constant 1.000000e-24 : f32
      %max3A_1314 = vector.broadcast %max3A_1313 : f32 to vector<16xf32>
      %max3A_1315 = arith.maximumf %select_n3A_1248, %max3A_1314 : vector<16xf32>
      %bitcast3A_1316 = vector.bitcast %max3A_1315 : vector<16xf32> to vector<16xi32>
      %shift_right_logical3A_1317 = arith.constant 1 : i32
      %shift_right_logical3A_1318 = vector.broadcast %shift_right_logical3A_1317 : i32 to vector<16xi32>
      %shift_right_logical3A_1319 = arith.shrui %bitcast3A_1316, %shift_right_logical3A_1318 : vector<16xi32>
      %sub3A_1320 = arith.constant 1597463007 : i32
      %sub3A_1321 = vector.broadcast %sub3A_1320 : i32 to vector<16xi32>
      %sub3A_1322 = arith.subi %sub3A_1321, %shift_right_logical3A_1319 : vector<16xi32>
      %bitcast3A_1323 = vector.bitcast %sub3A_1322 : vector<16xi32> to vector<16xf32>
      %mul3A_1324 = arith.constant 5.000000e-01 : f32
      %mul3A_1325 = vector.broadcast %mul3A_1324 : f32 to vector<16xf32>
      %mul3A_1326 = arith.mulf %max3A_1315, %mul3A_1325 : vector<16xf32>
      %mul3A_1327 = arith.mulf %mul3A_1326, %bitcast3A_1323 : vector<16xf32>
      %mul3A_1328 = arith.mulf %mul3A_1327, %bitcast3A_1323 : vector<16xf32>
      %sub3A_1329 = arith.constant 1.500000e+00 : f32
      %sub3A_1330 = vector.broadcast %sub3A_1329 : f32 to vector<16xf32>
      %sub3A_1331 = arith.subf %sub3A_1330, %mul3A_1328 : vector<16xf32>
      %mul3A_1332 = arith.mulf %bitcast3A_1323, %sub3A_1331 : vector<16xf32>
      %mul3A_1333 = arith.mulf %mul3A_1326, %mul3A_1332 : vector<16xf32>
      %mul3A_1334 = arith.mulf %mul3A_1333, %mul3A_1332 : vector<16xf32>
      %sub3A_1335 = arith.constant 1.500000e+00 : f32
      %sub3A_1336 = vector.broadcast %sub3A_1335 : f32 to vector<16xf32>
      %sub3A_1337 = arith.subf %sub3A_1336, %mul3A_1334 : vector<16xf32>
      %mul3A_1338 = arith.mulf %mul3A_1332, %sub3A_1337 : vector<16xf32>
      %mul3A_1339 = arith.mulf %mul3A_1326, %mul3A_1338 : vector<16xf32>
      %mul3A_1340 = arith.mulf %mul3A_1339, %mul3A_1338 : vector<16xf32>
      %sub3A_1341 = arith.constant 1.500000e+00 : f32
      %sub3A_1342 = vector.broadcast %sub3A_1341 : f32 to vector<16xf32>
      %sub3A_1343 = arith.subf %sub3A_1342, %mul3A_1340 : vector<16xf32>
      %mul3A_1344 = arith.mulf %mul3A_1338, %sub3A_1343 : vector<16xf32>
      %mul3A_1345 = arith.mulf %select_n3A_1239, %mul3A_1312 : vector<16xf32>
      %mul3A_1346 = arith.mulf %mul3A_1345, %mul3A_1312 : vector<16xf32>
      %mul3A_1347 = arith.mulf %select_n3A_1248, %mul3A_1344 : vector<16xf32>
      %mul3A_1348 = arith.mulf %mul3A_1347, %mul3A_1344 : vector<16xf32>
      %mul3A_1349 = arith.mulf %select_n3A_1266, %mul3A_1312 : vector<16xf32>
      %mul3A_1350 = arith.mulf %mul3A_1312, %mul3A_1344 : vector<16xf32>
      %mul3A_1351 = arith.mulf %select_n3A_1275, %mul3A_1350 : vector<16xf32>
      %sub3A_1352 = arith.subf %mul3A_1349, %mul3A_1351 : vector<16xf32>
      %mul3A_1353 = arith.mulf %select_n3A_1284, %mul3A_1344 : vector<16xf32>
      %sub3A_1354 = arith.subf %sub3A_1352, %mul3A_1353 : vector<16xf32>
      %add3A_1355 = arith.addf %mul3A_1346, %mul3A_1348 : vector<16xf32>
      %add3A_1356 = arith.addf %add3A_1355, %select_n3A_1257 : vector<16xf32>
      %add3A_1357 = arith.addf %sub3A_1354, %sub3A_1354 : vector<16xf32>
      %add3A_1358 = arith.addf %add3A_1356, %add3A_1357 : vector<16xf32>
      %max3A_1359 = arith.constant 0.000000e+00 : f32
      %max3A_1360 = vector.broadcast %max3A_1359 : f32 to vector<16xf32>
      %max3A_1361 = arith.maximumf %add3A_1358, %max3A_1360 : vector<16xf32>
      %max3A_1362 = arith.constant 1.000000e-30 : f32
      %max3A_1363 = vector.broadcast %max3A_1362 : f32 to vector<16xf32>
      %max3A_1364 = arith.maximumf %max3A_1361, %max3A_1363 : vector<16xf32>
      %bitcast3A_1365 = vector.bitcast %max3A_1364 : vector<16xf32> to vector<16xi32>
      %shift_right_logical3A_1366 = arith.constant 1 : i32
      %shift_right_logical3A_1367 = vector.broadcast %shift_right_logical3A_1366 : i32 to vector<16xi32>
      %shift_right_logical3A_1368 = arith.shrui %bitcast3A_1365, %shift_right_logical3A_1367 : vector<16xi32>
      %sub3A_1369 = arith.constant 1597463007 : i32
      %sub3A_1370 = vector.broadcast %sub3A_1369 : i32 to vector<16xi32>
      %sub3A_1371 = arith.subi %sub3A_1370, %shift_right_logical3A_1368 : vector<16xi32>
      %bitcast3A_1372 = vector.bitcast %sub3A_1371 : vector<16xi32> to vector<16xf32>
      %mul3A_1373 = arith.constant 5.000000e-01 : f32
      %mul3A_1374 = vector.broadcast %mul3A_1373 : f32 to vector<16xf32>
      %mul3A_1375 = arith.mulf %max3A_1364, %mul3A_1374 : vector<16xf32>
      %mul3A_1376 = arith.mulf %mul3A_1375, %bitcast3A_1372 : vector<16xf32>
      %mul3A_1377 = arith.mulf %mul3A_1376, %bitcast3A_1372 : vector<16xf32>
      %sub3A_1378 = arith.constant 1.500000e+00 : f32
      %sub3A_1379 = vector.broadcast %sub3A_1378 : f32 to vector<16xf32>
      %sub3A_1380 = arith.subf %sub3A_1379, %mul3A_1377 : vector<16xf32>
      %mul3A_1381 = arith.mulf %bitcast3A_1372, %sub3A_1380 : vector<16xf32>
      %mul3A_1382 = arith.mulf %mul3A_1375, %mul3A_1381 : vector<16xf32>
      %mul3A_1383 = arith.mulf %mul3A_1382, %mul3A_1381 : vector<16xf32>
      %sub3A_1384 = arith.constant 1.500000e+00 : f32
      %sub3A_1385 = vector.broadcast %sub3A_1384 : f32 to vector<16xf32>
      %sub3A_1386 = arith.subf %sub3A_1385, %mul3A_1383 : vector<16xf32>
      %mul3A_1387 = arith.mulf %mul3A_1381, %sub3A_1386 : vector<16xf32>
      %mul3A_1388 = arith.mulf %mul3A_1375, %mul3A_1387 : vector<16xf32>
      %mul3A_1389 = arith.mulf %mul3A_1388, %mul3A_1387 : vector<16xf32>
      %sub3A_1390 = arith.constant 1.500000e+00 : f32
      %sub3A_1391 = vector.broadcast %sub3A_1390 : f32 to vector<16xf32>
      %sub3A_1392 = arith.subf %sub3A_1391, %mul3A_1389 : vector<16xf32>
      %mul3A_1393 = arith.mulf %mul3A_1387, %sub3A_1392 : vector<16xf32>
      %mul3A_1394 = arith.mulf %max3A_1361, %mul3A_1393 : vector<16xf32>
      %neg3A = arith.constant 0.000000e+00 : f32
      %neg3A_1395 = vector.broadcast %neg3A : f32 to vector<16xf32>
      %neg3A_1396 = arith.subf %neg3A_1395, %mul3A_1394 : vector<16xf32>
      %mul3A_1397 = arith.constant 16 : i32
      %mul3A_1398 = arith.muli %scan3A_24, %mul3A_1397 : i32
      %swap3A = arith.index_cast %mul3A_1398 : i32 to index
      %swap3A_1399 = tpu.vector_load %arg14[%swap3A] {strides = array<i32>} : memref<512xf32, #tpu.memory_space<vmem>>, vector<16xf32>,
      tpu.vector_store %arg14[%swap3A], %neg3A_1396 {strides = array<i32>} : memref<512xf32, #tpu.memory_space<vmem>>, vector<16xf32>,
    }
    %scan3A_23 = arith.constant 32 : i32
    "tpu.region"() ({
      %run_scoped3A = tpu.sem_alloc : memref<!tpu.dma_semaphore, #tpu.memory_space<semaphore_mem>>
      %dma_start3A_24 = tpu.memref_slice %arg7[%mul3A_2] : memref<16384xf32, #tpu.memory_space<hbm>> -> memref<512xf32, #tpu.memory_space<hbm>>
      %dma_start3A_25 = tpu.memref_slice %arg7[%mul3A_2] : memref<16384xf32, #tpu.memory_space<hbm>> -> memref<512xf32, #tpu.memory_space<hbm>>
      tpu.enqueue_dma source(%arg14 : memref<512xf32, #tpu.memory_space<vmem>>) target(%dma_start3A_25 : memref<512xf32, #tpu.memory_space<hbm>>) target_semaphore(%run_scoped3A : memref<!tpu.dma_semaphore, #tpu.memory_space<semaphore_mem>>)
      %dma_wait3A_26 = tpu.memref_slice %arg7[%mul3A_2] : memref<16384xf32, #tpu.memory_space<hbm>> -> memref<512xf32, #tpu.memory_space<hbm>>
      %dma_wait3A_27 = tpu.memref_slice %arg7[%mul3A_2] : memref<16384xf32, #tpu.memory_space<hbm>> -> memref<512xf32, #tpu.memory_space<hbm>>
      tpu.wait_dma2 semaphore(%run_scoped3A : memref<!tpu.dma_semaphore, #tpu.memory_space<semaphore_mem>>) src(%arg14 : memref<512xf32, #tpu.memory_space<vmem>>) dst(%dma_wait3A_27 : memref<512xf32, #tpu.memory_space<hbm>>)
      tpu.yield
    }) : () -> ()
    return
  }
}

</mosaic_0001>

<sc_bundles>
// kernel: _transe_sc.3.cloned.1.call-start
scs
__scs_entry_jumppad:
0x0: {  	(pc) =	sbr.rel $0x88, $3  }
0x1: {  	(tag) =	ssettag $0x0;
	lr =	simm.s32 $0x1  }
0x2: {  	[smem:$0x3F9C] =	sst lr;
	_ =	strace $0xD0000000  }
0x3: {  	_ = 	snop  }
0x4: {  	_ = 	snop  }
0x5: {  	_ = 	snop  }
0x6: {  	_ = 	snop  }
0x7: {  	_ = 	snop  }
__scs_overlays_trampoline_lowered:
0x8: {  	[smem:$0x3FAB] =	sst s0  }
0x9: {  	[smem:$0x3FAC] =	sst s1  }
0xa: {  	[smem:$0x3FAD] =	sst s2  }
0xb: {  	[smem:$0x3FAE] =	sst s3  }
0xc: {  	[smem:$0x3FAF] =	sst s4  }
0xd: {  	[smem:$0x3FB0] =	sst s5  }
0xe: {  	[smem:$0x3FB1] =	sst s6  }
0xf: {  	[smem:$0x3FB2] =	sst s7  }
0x10: {  	[smem:$0x3FB3] =	sst s8  }
0x11: {  	[smem:$0x3FB4] =	sst s9;
	s0 =	simm.s32 @!p0 $0x0  }
0x12: {  	s1 =	sld [smem:$0x3F9A];
	s0 =	simm.s32 @p0 $0x1  }
0x13: {  	[smem:$0x3FB5] =	sst s0;
	s0 =	simm.s32 @!p1 $0x0  }
0x14: {  	s2 =	sld [smem:$0x3F99];
	s0 =	simm.s32 @p1 $0x1  }
0x15: {  	[smem:$0x3FB6] =	sst s0;
	s0 =	simm.s32 @!p2 $0x0  }
0x16: {  	s3 =	sld [smem:$0x3FDB];
	s0 =	simm.s32 @p2 $0x1  }
0x17: {  	s4 =	simm.s32 $0x1BF5;
	[smem:$0x3FB8] =	sst s0  }
0x18: {  	s0 =	sld [smem:$0x3F9B];
	_ =	swait.ge [sflag:s4], $0x0  }
0x19: {  	s7 =	sld [smem:$0x3F9C]  }
0x1a: {  	s8 =	sadd.s32 $0xFFFFE003, lr  }
0x1b: {  	s9 =	sadd.s32 $0xFFFFFEF7, lr;
	s5 =	simm.s32 $0xFFFFFFFF;
	p2 =	slt.u32 s8, $0xFFFFF086  }
0x1c: {  	p1 =	slt.u32 s9, $0xF7A;
	s5 =	simm.s32 @!p2 $0x0  }
0x1d: {  	s5 =	simm.s32 @p1 $0x1;
	p0 =	seq.s32 s7, s2  }
0x1e: {  	s7 =	smul.u32 @!p0 $0xF7A, s2;
	p2 =	seq.s32 @!p0 s5, $0x0  }
0x1f: {  	s9 =	smul.u32 $0xF7A, s1;
	s8 =	simm.s32 @!p0 $0x1BF5;
	p2 =	por !p2, p0  }
0x20: {  	[sflag:s8] =	ssyncset.s32 @!p0 $0xFFFFF086;
	s6 =	sadd.s32 @!p0 s3, s7;
	s7 =	simm.s32 @!p0 $0x108  }
0x21: {  	s3 =	sadd.s32 s3, s9;
	s6 =	sadd.s32 @!p0 $0x88, s6;
	s7 =	simm.s32 @p2 $0x1082  }
0x22: {  	[simem:s7], [sflag:s8] =	dma.local @!p0 [hbm:s6], $0xF7A  }
0x23: {  	s9 =	sor.u32 $0xD0000000, s2;
	s6 =	simm.s32 $0x108;
	_ =	swait.ge @!p0 [sflag:s8], $0x0  }
0x24: {  	s3 =	sadd.s32 $0x88, s3;
	s6 =	simm.s32 @!p1 $0x1082;
	[sflag:s4] =	ssyncset.s32 $0xFFFFF086  }
0x25: {  	[simem:s6], [sflag:s4] =	dma.local [hbm:s3], $0xF7A  }
0x26: {  	[smem:$0x3F9C] =	sst s1;
	(tag) =	ssettag s2;
	_ =	strace s9  }
0x27: {  	s1 =	sld [smem:$0x3FAC]  }
0x28: {  	s2 =	sld [smem:$0x3FAD]  }
0x29: {  	s4 =	sld [smem:$0x3FAF]  }
0x2a: {  	p0 =	seq.s32 s5, $0x0;
	s5 =	sld [smem:$0x3FB0]  }
0x2b: {  	s6 =	sld [smem:$0x3FB1]  }
0x2c: {  	s7 =	sld [smem:$0x3FB2]  }
0x2d: {  	s3 =	simm.s32 $0x108;
	s8 =	sld [smem:$0x3FB3]  }
0x2e: {  	s3 =	simm.s32 @!p0 $0x1082;
	s9 =	sld [smem:$0x3FB4]  }
0x2f: {  	lr =	sadd.s32 s0, s3;
	s0 =	sld [smem:$0x3FAB]  }
0x30: {  	s3 =	sld [smem:$0x3FAE]  }
0x31: {  	[smem:$0x3FB7] =	sst s10  }
0x32: {  	s10 =	sld [smem:$0x3FB5];
	_ =	sdelay $0x3  }
0x33: {  	p0 =	seq.s32 s10, $0x1;
	s10 =	sld [smem:$0x3FB7];
	_ =	sdelay $0x3  }
0x34: {  	[smem:$0x3FB7] =	sst s10  }
0x35: {  	s10 =	sld [smem:$0x3FB6];
	_ =	sdelay $0x3  }
0x36: {  	p1 =	seq.s32 s10, $0x1;
	s10 =	sld [smem:$0x3FB7];
	_ =	sdelay $0x3  }
0x37: {  	[smem:$0x3FB7] =	sst s10  }
0x38: {  	s10 =	sld [smem:$0x3FB8]  }
0x39: {  	_ = 	snop;
	(pc) =	sbr.ind lr, $3  }
0x3a: {  	_ = 	snop  }
0x3b: {  	_ = 	snop  }
0x3c: {  	p2 =	seq.s32 s10, $0x1;
	s10 =	sld [smem:$0x3FB7]  }
0x3d: {  	_ =	shalt  }
0x3e: {  	_ =	shalt  }
0x3f: {  	_ =	shalt  }
0x40: {  	_ =	shalt  }
0x41: {  	_ =	shalt  }
0x42: {  	_ =	shalt  }
0x43: {  	_ =	shalt  }
0x44: {  	_ =	shalt  }
0x45: {  	_ =	shalt  }
0x46: {  	_ =	shalt  }
0x47: {  	_ =	shalt  }
0x48: {  	_ =	shalt  }
0x49: {  	_ =	shalt  }
0x4a: {  	_ =	shalt  }
0x4b: {  	_ =	shalt  }
0x4c: {  	_ =	shalt  }
0x4d: {  	_ =	shalt  }
0x4e: {  	_ =	shalt  }
0x4f: {  	_ =	shalt  }
0x50: {  	_ =	shalt  }
0x51: {  	_ =	shalt  }
0x52: {  	_ =	shalt  }
0x53: {  	_ =	shalt  }
0x54: {  	_ =	shalt  }
0x55: {  	_ =	shalt  }
0x56: {  	_ =	shalt  }
0x57: {  	_ =	shalt  }
0x58: {  	_ =	shalt  }
0x59: {  	_ =	shalt  }
0x5a: {  	_ =	shalt  }
0x5b: {  	_ =	shalt  }
0x5c: {  	_ =	shalt  }
0x5d: {  	_ =	shalt  }
0x5e: {  	_ =	shalt  }
0x5f: {  	_ =	shalt  }
0x60: {  	_ =	shalt  }
0x61: {  	_ =	shalt  }
0x62: {  	_ =	shalt  }
0x63: {  	_ =	shalt  }
0x64: {  	_ =	shalt  }
0x65: {  	_ =	shalt  }
0x66: {  	_ =	shalt  }
0x67: {  	_ =	shalt  }
0x68: {  	_ =	shalt  }
0x69: {  	_ =	shalt  }
0x6a: {  	_ =	shalt  }
0x6b: {  	_ =	shalt  }
0x6c: {  	_ =	shalt  }
0x6d: {  	_ =	shalt  }
0x6e: {  	_ =	shalt  }
0x6f: {  	_ =	shalt  }
0x70: {  	_ =	shalt  }
0x71: {  	_ =	shalt  }
0x72: {  	_ =	shalt  }
0x73: {  	_ =	shalt  }
0x74: {  	_ =	shalt  }
0x75: {  	_ =	shalt  }
0x76: {  	_ =	shalt  }
0x77: {  	_ =	shalt  }
0x78: {  	_ =	shalt  }
0x79: {  	_ =	shalt  }
0x7a: {  	_ =	shalt  }
0x7b: {  	_ =	shalt  }
0x7c: {  	_ =	shalt  }
0x7d: {  	_ =	shalt  }
0x7e: {  	_ =	shalt  }
0x7f: {  	_ =	shalt  }
0x80: {  	_ =	shalt  }
0x81: {  	_ =	shalt  }
0x82: {  	_ =	shalt  }
0x83: {  	_ =	shalt  }
0x84: {  	_ =	shalt  }
0x85: {  	_ =	shalt  }
0x86: {  	_ =	shalt  }
0x87: {  	_ =	shalt  }
.Lfunc_end0:
.L_simem_size_0:
called_computation_lowered:
.L_overlay_start_0:
0x88: {  	s2 =	sld [smem:$0x3FD9]  }
0x89: {  	s3 =	sld [smem:$0x3FFE];
	_ =	sdelay $0x1  }
0x8a: {  	s1 =	srdreg.scid  }
0x8b: {  	s0 =	sand.u32 $0x1, s1  }
0x8c: {  	s17 =	sshll.u32 s0, $0xA;
	s2 =	sadd.s32 s3, s2  }
0x8d: {  	s2 =	sadd.s32 s2, s17  }
0x8e: {  	[smem:$0x3FC3] =	sst s2  }
0x8f: {  	_ = 	snop  }
0x90: {  	s2 =	sld [smem:$0x3FC7]  }
0x91: {  	s18 =	sld [smem:$0x3FC6]  }
0x92: {  	s4 =	sld [smem:$0x3FC5]  }
0x93: {  	s5 =	sld [smem:$0x3FD0];
	(tm) =	ssettm $0x1  }
0x94: {  	s6 =	sld [smem:$0x3FFB];
	_ =	sdelay $0x3  }
0x95: {  	_ =	strace s6  }
0x96: {  	s6 =	sld [smem:$0x3FFC];
	_ =	sdelay $0x3  }
0x97: {  	_ =	strace s6  }
0x98: {  	s6 =	sld [smem:$0x3FFD];
	_ =	sdelay $0x3  }
0x99: {  	_ =	strace s6  }
0x9a: {  	_ =	strace $0x8FFFFFFF  }
0x9b: {  	s19 =	sld [smem:$0x3FDB];
	_ =	sdelay $0x1  }
0x9c: {  	s7 =	simm.s32 $_scs_section_size  }
0x9d: {  	s8 =	simm.s32 $_size__tile_overlayer_lowered;
	s9 =	simm.s32 $_tile_overlayer_lowered  }
0x9e: {  	s22 =	simm.s32 $0x1BFF;
	s21 =	sshll.u32 s9, $0x1;
	s6 =	sadd.s32 s7, s19  }
0x9f: {  	s10 =	simm.s32 $0x0;
	s20 =	sshll.u32 s8, $0x1;
	s8 =	sadd.s32 s21, s6  }
0xa0: {  	[timem:s10], [sflag:s22] =	dma.local [hbm:s8], s20  }
0xa1: {  	_ =	swait.ge [sflag:s22], s20  }
0xa2: {  	s7 =	ssub.s32 $0x0, s20;
	[sflag:s22] =	ssyncset.done $0x0  }
0xa3: {  	[sflag:s22] =	ssyncadd.s32 s7;
	_ =	sdelay $0x1  }
0xa4: {  	s23 =	simm.s32 $0x1B8B  }
0xa5: {  	_ =	swait.ge [sflag:s23], $0x1  }
0xa6: {  	[sflag:s23] =	ssyncset.done $0x0  }
0xa7: {  	s25 =	simm.s32 $0x1B8E;
	s24 =	sld [smem:$0x3FFE];
	[sflag:s23] =	ssyncadd.s32 $0xFFFFFFFF  }
0xa8: {  	s26 =	simm.s32 $execute0_lowered;
	[smem:$0x3FD2] =	sst s25  }
0xa9: {  	s8 =	sshll.u32 s26, $0x1;
	_ =	strace $0x80000046;
	[dreg:$0x1] =	wrdreg $0xFFFFFFFF  }
0xaa: {  	s28 =	simm.s32 $_size_execute0_lowered;
	s6 =	sadd.s32 s6, s8;
	[dreg:$0x0] =	wrdreg $0x0  }
0xab: {  	s8 =	sshll.u32 s28, $0x1;
	[dreg:$0x2] =	wrdreg s6  }
0xac: {  	[dreg:$0x3] =	wrdreg s8  }
0xad: {  	[dreg:$0x4] =	wrdreg $0xC0  }
0xae: {  	_ =	task [dreg:s10], $0x5FFFF  }
0xaf: {  	[dreg:$0x1] =	wrdreg $0xFFFFFFFF  }
0xb0: {  	[dreg:$0x0] =	wrdreg $0x60  }
0xb1: {  	[dreg:$0x2] =	wrdreg s24  }
0xb2: {  	[dreg:$0x3] =	wrdreg s2  }
0xb3: {  	[dreg:$0x4] =	wrdreg s18  }
0xb4: {  	[dreg:$0x5] =	wrdreg s4  }
0xb5: {  	[dreg:$0x6] =	wrdreg s5  }
0xb6: {  	[dreg:$0x7] =	wrdreg $0x9  }
0xb7: {  	_ =	task.clear_ibuf [dreg:s10], $0x8FFFF;
	_ =	strace $0x90000046  }
0xb8: {  	s29 =	simm.s32 $0x9;
	_ =	strace $0x80000048  }
0xb9: {  	_ =	swait.ge [sflag:s29], $0x1  }
0xba: {  	[sflag:s29] =	ssyncadd.s32 $0xFFFFFFFF  }
0xbb: {  	_ =	strace $0x90000048  }
0xbc: {  	_ =	sfence  }
0xbd: {  	s30 =	sld [smem:$0x0];
	_ =	sdelay $0x2  }
0xbe: {  	s31 =	sshll.u32 s1, $0xD;
	s1 =	sshrl.u32 s1, $0x2  }
0xbf: {  	s3 =	sand.u32 $0x4000, s31;
	s1 =	sadd.s32 s1, s30  }
0xc0: {  	s0 =	sor.u32 s3, s0;
	s1 =	sshll.u32 s1, $0x11  }
0xc1: {  	s0 =	sor.u32 s1, s0  }
0xc2: {  	s0 =	sadd.s32 $0x8F2B, s0  }
0xc3: {  	[sflag:s0] =	ssyncadd.remote.s32 $0x1  }
0xc4: {  	_ =	sfence.sel $0xFFFF  }
0xc5: {  	[dreg:$0x0] =	wrdreg $0xFFFFFFFF;
	(pc) =	sbr.abs _section_cstart, $3  }
0xc6: {  	[dreg:$0x1] =	wrdreg $0xFFFFFFFF  }
0xc7: {  	_ =	task.clear_ibuf [dreg:s10], $0x2FFFF;
	_ =	strace $0x9FFFFFFF  }
0xc8: {  	(tm) =	ssettm $0x7FFFFFFF  }
0xc9: {  	_ =	shalt  }
tec
execute0_lowered:
.L_overlay_start_1:
0x0: {  	(tag) =	ssettag $0x1  }
0x1: {  	s4 =	rddreg [dreg:$0x0]  }
0x2: {  	s5 =	rddreg [dreg:$0x1]  }
0x3: {  	s7 =	rddreg [dreg:$0x2]  }
0x4: {  	s6 =	rddreg [dreg:$0x3]  }
0x5: {  	s8 =	rddreg [dreg:$0x4]  }
0x6: {  	s0 =	rddreg [dreg:$0x5]  }
0x7: {  	s2 =	simm.s32 $0x0;
	s3 =	srdreg.scid;
	s1 =	stileid.u32  }
0x8: {  	s13 =	simm.s32 $0x600;
	s14 =	simm.s32 $0x8600;
	s15 =	simm.s32 $0x4600  }
0x9: {  	s16 =	simm.s32 $0x1;
	s17 =	simm.s32 $0x2;
	s18 =	simm.s32 $0x3  }
0xa: {  	s19 =	simm.s32 $0xC600;
	s20 =	simm.s32 $0x0;
	[smem:$0x7FF] =	sst s2  }
0xb: {  	s3 =	sand.u32 $0x1, s3;
	s10 =	sshll.u32 s1, $0x7;
	_ =	strace $0x80000047  }
0xc: {  	vm0 =	vmmov $0x1;
	vm1 =	vmmov $0x3;
	vm2 =	vmmov $0x7;
	s9 =	ssub.s32 $0x2, s3;
	s11 =	sshll.u32 s3, $0x6;
	s3 =	sadd.s32 $0xF42A00, s4  }
0xd: {  	vm3 =	vmmov $0xf;
	vm4 =	vmmov $0x1f;
	vm5 =	vmmov $0x3f;
	s4 =	sadd.s32 $0x600, s4;
	s12 =	sshrl.u32 s9, $0x1;
	s10 =	sor.u32 s11, s10  }
0xe: {  	vm6 =	vmmov $0x7f;
	vm7 =	vmmov $0xff;
	vm8 =	vmmov $0x1ff;
	s11 =	simm.s32 $0x400;
	s9 =	ssub.s32 s9, s12;
	s5 =	sadd.s32 s5, s10  }
0xf: {  	vm9 =	vmmov $0x3ff;
	vm10 =	vmmov $0x7ff;
	vm11 =	vmmov $0xfff;
	s6 =	sadd.s32 s6, s10;
	s7 =	sadd.s32 s7, s10;
	s8 =	sadd.s32 s8, s10  }
0x10: {  	vm12 =	vmmov $0x1fff;
	vm13 =	vmmov $0x3fff;
	vm14 =	vmmov $0x7fff;
	s10 =	simm.s32 $0x4;
	s12 =	simm.s32 $0x200;
	s9 =	smax.u32 s9, $0x1  }
.LBB2_1:
0x11: {  	[tilespmem:s2], [sflag:$0x4] =	stream.linear.gather [hbm4b:s5+s2], $0x200, $0x38;
	[tilespmem:$0xC800] =	vst v63  }
0x12: {  	_ =	swait.ge [sflag:s10], $0x200  }
0x13: {  	[sflag:s10] =	ssyncset.done $0x0  }
0x14: {  	[sflag:s10] =	ssyncadd.s32 $0xFFFFFE00  }
0x15: {  	[tilespmem:s11], [sflag:$0x4] =	stream.linear.gather [hbm4b:s6+s2], $0x200, $0x38;
	[tilespmem:$0xC800] =	vst v63  }
0x16: {  	_ =	swait.ge [sflag:s10], $0x200  }
0x17: {  	[sflag:s10] =	ssyncset.done $0x0  }
0x18: {  	[sflag:s10] =	ssyncadd.s32 $0xFFFFFE00  }
0x19: {  	[tilespmem:s12], [sflag:$0x4] =	stream.linear.gather [hbm4b:s7+s2], $0x200, $0x38;
	[tilespmem:$0xC800] =	vst v63  }
0x1a: {  	_ =	swait.ge [sflag:s10], $0x200  }
0x1b: {  	[sflag:s10] =	ssyncset.done $0x0  }
0x1c: {  	[sflag:s10] =	ssyncadd.s32 $0xFFFFFE00  }
0x1d: {  	[tilespmem:s13], [sflag:$0x1] =	stream.indirect.gather [hbm4b:s3+s12], $0x20, s2, s12, $0xb8;
	[tilespmem:$0xC800] =	vst v63  }
0x1e: {  	_ = 	snop  }
0x1f: {  	[tilespmem:s14], [sflag:$0x2] =	stream.indirect.gather [hbm4b:s3+s12], $0x20, s11, s12, $0xb8;
	[tilespmem:$0xC800] =	vst v63  }
0x20: {  	_ = 	snop  }
0x21: {  	[tilespmem:s15], [sflag:$0x3] =	stream.indirect.gather [hbm4b:s4+s12], $0x20, s12, s12, $0xb8;
	[tilespmem:$0xC800] =	vst v63  }
0x22: {  	_ =	swait.ge [sflag:s16], $0x4000  }
0x23: {  	[sflag:s16] =	ssyncset.done $0x0  }
0x24: {  	[sflag:s16] =	ssyncadd.s32 $0xFFFFC000  }
0x25: {  	_ =	swait.ge [sflag:s17], $0x4000  }
0x26: {  	[sflag:s17] =	ssyncset.done $0x0  }
0x27: {  	[sflag:s17] =	ssyncadd.s32 $0xFFFFC000  }
0x28: {  	_ =	swait.ge [sflag:s18], $0x4000  }
0x29: {  	[sflag:s18] =	ssyncset.done $0x0  }
0x2a: {  	s21 =	simm.s32 $0xC600;
	s22 =	simm.s32 $0x0;
	[sflag:s18] =	ssyncadd.s32 $0xFFFFC000  }
.LBB2_2:
0x2b: {  	s23 =	sshra.s32 s22, $0x2  }
0x2c: {  	v2 =	vld [tilespmem:s23+$0x600]  }
0x2d: {  	v3 =	vld [tilespmem:s23+$0x610]  }
0x2e: {  	v4 =	vld [tilespmem:s23+$0x8600]  }
0x2f: {  	v5 =	vld [tilespmem:s23+$0x8610]  }
0x30: {  	v28 =	vld [tilespmem:s23+$0x4600]  }
0x31: {  	v29 =	vld [tilespmem:s23+$0x4610]  }
0x32: {  	v8 =	vld [tilespmem:s23+$0x620]  }
0x33: {  	v9 =	vld [tilespmem:s23+$0x630];
	v0 =	vmul.f32 v2, v2  }
0x34: {  	v11 =	vld [tilespmem:s23+$0x8620];
	v1 =	vmul.f32 v3, v3;
	v6 =	vmul.f32 v4, v4  }
0x35: {  	v30 =	vld [tilespmem:s23+$0x8630];
	v7 =	vmul.f32 v5, v5;
	v12 =	vmul.f32 v28, v28  }
0x36: {  	v14 =	vld [tilespmem:s23+$0x4620];
	v13 =	vmul.f32 v29, v29;
	v15 =	vmul.f32 v28, v2  }
0x37: {  	v17 =	vld [tilespmem:s23+$0x4630];
	v16 =	vmul.f32 v29, v3;
	v2 =	vmul.f32 v4, v2  }
0x38: {  	v31 =	vld [tilespmem:s23+$0x640];
	v3 =	vmul.f32 v5, v3;
	v4 =	vmul.f32 v28, v4  }
0x39: {  	v32 =	vld [tilespmem:s23+$0x650];
	v5 =	vmul.f32 v29, v5;
	v33 =	vmul.f32 v8, v8  }
0x3a: {  	v35 =	vld [tilespmem:s23+$0x8640];
	v34 =	vmul.f32 v9, v9;
	v36 =	vmul.f32 v11, v11  }
0x3b: {  	v38 =	vld [tilespmem:s23+$0x8650];
	v37 =	vmul.f32 v30, v30;
	v40 =	vmul.f32 v14, v14  }
0x3c: {  	v18 =	vld [tilespmem:s23+$0x4640];
	v41 =	vmul.f32 v17, v17;
	v43 =	vmul.f32 v14, v8  }
0x3d: {  	v19 =	vld [tilespmem:s23+$0x4650];
	v44 =	vmul.f32 v17, v9;
	v46 =	vmul.f32 v11, v8;
	v0 =	vadd.f32 v1, v0  }
0x3e: {  	v47 =	vmul.f32 v30, v9;
	v49 =	vmul.f32 v14, v11;
	v27 =	vadd.f32 v7, v6  }
0x3f: {  	v51 =	vld [tilespmem:s23+$0x670];
	v50 =	vmul.f32 v17, v30;
	v53 =	vmul.f32 v31, v31;
	(xrf2) =	vadd.scan.msk.f32 $0xffff, v0  }
0x40: {  	v55 =	vld [tilespmem:s23+$0x8660];
	v54 =	vmul.f32 v32, v32;
	v57 =	vmul.f32 v35, v35;
	(xrf2) =	vadd.scan.msk.f32 $0xffff, v27  }
0x41: {  	v63 =	vld [tilespmem:s23+$0x4660];
	v58 =	vmul.f32 v38, v38;
	v61 =	vmul.f32 v18, v18;
	v12 =	vadd.f32 v13, v12  }
0x42: {  	v59 =	vld [tilespmem:s23+$0x8670];
	v62 =	vmul.f32 v19, v19;
	v15 =	vadd.f32 v16, v15;
	v2 =	vadd.f32 v3, v2  }
0x43: {  	v8 =	vld [tilespmem:s23+$0x660];
	v28 =	vmul.f32 v19, v32;
	v4 =	vadd.f32 v5, v4;
	v39 =	vadd.f32 v34, v33;
	(xrf2) =	vadd.scan.msk.f32 $0xffff, v12  }
0x44: {  	v21 =	vld [tilespmem:s23+$0x8690];
	v42 =	vadd.f32 v37, v36;
	v45 =	vadd.f32 v41, v40;
	v6 =	vmul.f32 v38, v32;
	(xrf2) =	vadd.scan.msk.f32 $0xffff, v15  }
0x45: {  	v29 =	vld [tilespmem:s23+$0x4670];
	v48 =	vadd.f32 v44, v43;
	v34 =	vmul.f32 v18, v35;
	v41 =	vmul.f32 v55, v55;
	(xrf2) =	vadd.scan.msk.f32 $0xffff, v2  }
0x46: {  	v60 =	vadd.f32 v54, v53;
	v7 =	vld [tilespmem:s23+$0x680];
	v44 =	vmul.f32 v63, v63;
	v54 =	vmul.f32 v63, v55;
	(xrf2) =	vadd.scan.msk.f32 $0xffff, v4  }
0x47: {  	v52 =	vadd.f32 v47, v46;
	v27 =	vmul.f32 v18, v31;
	v31 =	vmul.f32 v35, v31;
	v18 =	vld [tilespmem:s23+$0x8680];
	(xrf2) =	vadd.scan.msk.f32 $0xffff, v39  }
0x48: {  	v56 =	vadd.f32 v50, v49;
	v35 =	vmul.f32 v19, v38;
	v38 =	vmul.f32 v8, v8;
	(xrf2) =	vadd.scan.msk.f32 $0xffff, v42  }
0x49: {  	v26 =	vadd.f32 v58, v57;
	v47 =	vmul.f32 v63, v8;
	v50 =	vmul.f32 v55, v8;
	v0, _, _ =	vpop (xrf2);
	(xrf2) =	vadd.scan.msk.f32 $0xffff, v45  }
0x4a: {  	v30 =	vadd.f32 v62, v61;
	v55 =	vmul.f32 v29, v59;
	v63 =	vmul.f32 v21, v21;
	v12 =	vld [tilespmem:s23+$0x690];
	v10, _, _ =	vpop (xrf2);
	(xrf2) =	vadd.scan.msk.f32 $0xffff, v48  }
0x4b: {  	v23 =	vld [tilespmem:s23+$0x4680];
	v33 =	vadd.f32 v28, v27;
	v37 =	vadd.f32 v6, v31;
	v58 =	vmul.f32 v7, v7;
	(xrf2) =	vadd.scan.msk.f32 $0xffff, v52  }
0x4c: {  	v40 =	vadd.f32 v35, v34;
	v39 =	vmul.f32 v51, v51;
	v62 =	vmul.f32 v18, v18;
	(xrf2) =	vadd.scan.msk.f32 $0xffff, v56  }
0x4d: {  	v25 =	vld [tilespmem:s23+$0x4690];
	v61 =	vadd.f32 v55, v54;
	v42 =	vmul.f32 v59, v59;
	v45 =	vmul.f32 v29, v29;
	v20, _, _ =	vpop (xrf2);
	(xrf2) =	vadd.scan.msk.f32 $0xffff, v60  }
0x4e: {  	v43 =	vadd.f32 v39, v38;
	v1 =	vbroadcast v0, $0xF;
	v48 =	vmul.f32 v29, v51;
	v32, _, _ =	vpop (xrf2);
	(xrf2) =	vadd.scan.msk.f32 $0xffff, v26  }
0x4f: {  	v46 =	vadd.f32 v42, v41;
	v51 =	vmul.f32 v59, v51;
	v59 =	vmul.f32 v12, v12;
	v36, _, _ =	vpop (xrf2);
	(xrf2) =	vadd.scan.msk.f32 $0xffff, v30  }
0x50: {  	v29 =	vmul.f32 v23, v23;
	v0 =	vbroadcast v10, $0xF;
	v49 =	vadd.f32 v45, v44;
	v19, _, _ =	vpop (xrf2);
	(xrf2) =	vadd.scan.msk.f32 $0xffff, v33  }
0x51: {  	v53 =	vadd.f32 v48, v47;
	v31 =	vbroadcast v20, $0xF;
	v13 =	vbroadcast v32, $0xF;
	v22, _, _ =	vpop (xrf2);
	(xrf2) =	vadd.scan.msk.f32 $0xffff, v37  }
0x52: {  	v57 =	vadd.f32 v51, v50;
	v34 =	vbroadcast v36, $0xF;
	v30 =	vmul.f32 v25, v25;
	v24, _, _ =	vpop (xrf2);
	(xrf2) =	vadd.scan.msk.f32 $0xffff, v40  }
0x53: {  	v28 =	vadd.f32 v59, v58;
	v41 =	vbroadcast v19, $0xF;
	v35 =	vbroadcast v22, $0xF;
	v26, _, _ =	vpop (xrf2);
	(xrf2) =	vadd.scan.msk.f32 $0xffff, v43  }
0x54: {  	v33 =	vadd.f32 v63, v62;
	v37 =	vadd.f32 v30, v29;
	v38 =	vbroadcast v24, $0xF;
	v52, _, _ =	vpop (xrf2);
	(xrf2) =	vadd.scan.msk.f32 $0xffff, v46  }
0x55: {  	v29 =	vld [tilespmem:s23+$0x86A0];
	v1 =	vsel vm0, v1, v35;
	v35 =	vmul.f32 v25, v12;
	v39 =	vbroadcast v26, $0xF;
	v56, _, _ =	vpop (xrf2);
	(xrf2) =	vadd.scan.msk.f32 $0xffff, v49  }
0x56: {  	v0 =	vsel vm0, v0, v38;
	v8 =	vbroadcast v52, $0xF;
	v60, _, _ =	vpop (xrf2);
	(xrf2) =	vadd.scan.msk.f32 $0xffff, v53;
	v44 =	vbroadcast v56, $0xF  }
0x57: {  	v63 =	vld [tilespmem:s23+$0x6B0];
	v43 =	vsel vm0, v31, v39;
	v39 =	vmul.f32 v23, v18;
	v27, _, _ =	vpop (xrf2);
	(xrf2) =	vadd.scan.msk.f32 $0xffff, v57;
	v46 =	vbroadcast v60, $0xF  }
0x58: {  	v60 =	vld [tilespmem:s23+$0x6A0];
	v32, _, _ =	vpop (xrf2);
	(xrf2) =	vadd.scan.msk.f32 $0xffff, v61;
	v47 =	vbroadcast v27, $0xF;
	v3 =	vsel vm0, v34, v44;
	v34 =	vmul.f32 v23, v7  }
0x59: {  	v8 =	vsel vm0, v13, v8;
	v7 =	vmul.f32 v18, v7;
	v44 =	vld [tilespmem:s23+$0x86C0];
	v36, _, _ =	vpop (xrf2);
	(xrf2) =	vadd.scan.msk.f32 $0xffff, v28;
	v49 =	vbroadcast v32, $0xF  }
0x5a: {  	v38 =	vld [tilespmem:s23+$0x6C0];
	v4 =	vsel vm0, v41, v46;
	v46 =	vmul.f32 v29, v29;
	v40, _, _ =	vpop (xrf2);
	(xrf2) =	vadd.scan.msk.f32 $0xffff, v33;
	v50 =	vbroadcast v36, $0xF  }
0x5b: {  	v32 =	vld [tilespmem:s23+$0x86B0];
	v1 =	vsel vm1, v1, v47;
	v42, _, _ =	vpop (xrf2);
	(xrf2) =	vadd.scan.msk.f32 $0xffff, v37;
	v52 =	vbroadcast v40, $0xF;
	v37 =	vmul.f32 v21, v12  }
0x5c: {  	v33 =	vld [tilespmem:s23+$0x46A0];
	v0 =	vsel vm1, v0, v49;
	v40 =	vmul.f32 v25, v21;
	v54 =	vbroadcast v42, $0xF  }
0x5d: {  	v36 =	vld [tilespmem:s23+$0x46B0];
	v45, _, _ =	vpop (xrf2);
	v2 =	vsel vm1, v43, v50;
	v42 =	vmul.f32 v60, v60;
	v43 =	vmul.f32 v63, v63  }
0x5e: {  	v48, _, _ =	vpop (xrf2);
	v8 =	vsel vm1, v8, v52;
	v6 =	vbroadcast v45, $0xF;
	v26 =	vmul.f32 v44, v44  }
0x5f: {  	v16 =	vld [tilespmem:s23+$0x6F0];
	v7 =	vadd.f32 v37, v7;
	v37 =	vmul.f32 v44, v38;
	v56 =	vbroadcast v48, $0xF  }
0x60: {  	v45 =	vadd.f32 v40, v39;
	v51, _, _ =	vpop (xrf2);
	v47 =	vmul.f32 v32, v32;
	v10 =	vmul.f32 v32, v63  }
0x61: {  	v41 =	vld [tilespmem:s23+$0x6D0];
	v3 =	vsel vm1, v3, v54;
	v58 =	vbroadcast v51, $0xF;
	v50 =	vmul.f32 v33, v33  }
0x62: {  	v17 =	vld [tilespmem:s23+$0x86E0];
	v49 =	vadd.f32 v43, v42;
	v53, _, _ =	vpop (xrf2);
	v51 =	vmul.f32 v36, v36;
	v54 =	vmul.f32 v33, v60  }
0x63: {  	v52 =	vld [tilespmem:s23+$0x46C0];
	v4 =	vsel vm1, v4, v6;
	v13 =	vmul.f32 v33, v29;
	v55, _, _ =	vpop (xrf2);
	v11 =	vbroadcast v53, $0xF  }
0x64: {  	v18 =	vld [tilespmem:s23+$0x86F0];
	v53 =	vadd.f32 v47, v46;
	v46 =	vmul.f32 v16, v16;
	v61 =	vbroadcast v55, $0xF  }
0x65: {  	v15 =	vld [tilespmem:s23+$0x6E0];
	v0 =	vsel vm2, v0, v58;
	v55 =	vmul.f32 v36, v63;
	v58 =	vmul.f32 v29, v60  }
0x66: {  	v48 =	vld [tilespmem:s23+$0x86D0];
	v1 =	vsel vm2, v1, v56;
	v57, _, _ =	vpop (xrf2);
	v60 =	vmul.f32 v36, v32;
	v63 =	vmul.f32 v41, v41  }
0x67: {  	v59, _, _ =	vpop (xrf2);
	v27 =	vbroadcast v57, $0xF;
	v6 =	vsel vm2, v8, v61;
	v8 =	vadd.f32 v35, v34  }
0x68: {  	v56 =	vld [tilespmem:s23+$0x46D0];
	v2 =	vsel vm2, v2, v11;
	v29 =	vmul.f32 v52, v52;
	v33 =	vmul.f32 v52, v38;
	v62, _, _ =	vpop (xrf2)  }
0x69: {  	v57 =	vadd.f32 v51, v50;
	v50 =	vmul.f32 v18, v18;
	v30 =	vbroadcast v59, $0xF;
	v28, _, _ =	vpop (xrf2);
	(xrf2) =	vadd.scan.msk.f32 $0xffff, v8  }
0x6a: {  	v21 =	vadd.f32 v60, v13;
	v60 =	vmul.f32 v17, v15;
	v9 =	vbroadcast v62, $0xF;
	v31, _, _ =	vpop (xrf2);
	(xrf2) =	vadd.scan.msk.f32 $0xffff, v7  }
0x6b: {  	v24 =	vld [tilespmem:s23+$0x710];
	v3 =	vsel vm2, v3, v27;
	v62 =	vmul.f32 v38, v38;
	v27 =	vmul.f32 v48, v48;
	(xrf2) =	vadd.scan.msk.f32 $0xffff, v45  }
0x6c: {  	v59 =	vadd.f32 v55, v54;
	v35 =	vld [tilespmem:s23+$0x46F0];
	v38 =	vmul.f32 v48, v41;
	v5 =	vbroadcast v28, $0xF;
	(xrf2) =	vadd.scan.msk.f32 $0xffff, v49  }
0x6d: {  	v4 =	vsel vm2, v4, v30;
	v30 =	vmul.f32 v56, v56;
	v11 =	vbroadcast v31, $0xF;
	v31 =	vld [tilespmem:s23+$0x46E0];
	(xrf2) =	vadd.scan.msk.f32 $0xffff, v53  }
0x6e: {  	v61 =	vadd.f32 v10, v58;
	v34 =	vmul.f32 v56, v41;
	v41 =	vmul.f32 v52, v44;
	(xrf2) =	vadd.scan.msk.f32 $0xffff, v57  }
0x6f: {  	v42 =	vmul.f32 v56, v48;
	v28 =	vadd.f32 v63, v62;
	v32 =	vadd.f32 v27, v26;
	(xrf2) =	vadd.scan.msk.f32 $0xffff, v59  }
0x70: {  	v22 =	vld [tilespmem:s23+$0x700];
	v1 =	vsel vm3, v1, v9;
	v44 =	vadd.f32 v38, v37;
	v36 =	vadd.f32 v30, v29;
	(xrf2) =	vadd.scan.msk.f32 $0xffff, v61  }
0x71: {  	v40 =	vadd.f32 v34, v33;
	v45 =	vmul.f32 v15, v15;
	v33 =	vmul.f32 v24, v24;
	(xrf2) =	vadd.scan.msk.f32 $0xffff, v21  }
0x72: {  	v48 =	vadd.f32 v42, v41;
	v58 =	vmul.f32 v35, v16;
	v57 =	vmul.f32 v31, v15;
	(xrf2) =	vadd.scan.msk.f32 $0xffff, v28  }
0x73: {  	v0 =	vsel vm3, v0, v5;
	v49 =	vmul.f32 v17, v17;
	v54 =	vmul.f32 v35, v35;
	v39, _, _ =	vpop (xrf2);
	(xrf2) =	vadd.scan.msk.f32 $0xffff, v32  }
0x74: {  	v29 =	vmul.f32 v35, v18;
	v2 =	vsel vm3, v2, v11;
	v63 =	vadd.f32 v58, v57;
	v58 =	vld [tilespmem:s23+$0x8700];
	v43, _, _ =	vpop (xrf2);
	(xrf2) =	vadd.scan.msk.f32 $0xffff, v36  }
0x75: {  	v52 =	vadd.f32 v46, v45;
	v53 =	vmul.f32 v31, v31;
	v32 =	vmul.f32 v22, v22;
	v47, _, _ =	vpop (xrf2);
	(xrf2) =	vadd.scan.msk.f32 $0xffff, v40  }
0x76: {  	v56 =	vadd.f32 v50, v49;
	v61 =	vmul.f32 v18, v16;
	v28 =	vmul.f32 v31, v17;
	v51, _, _ =	vpop (xrf2);
	(xrf2) =	vadd.scan.msk.f32 $0xffff, v44  }
0x77: {  	v59 =	vadd.f32 v54, v53;
	v34 =	vbroadcast v39, $0xF;
	v39 =	vadd.f32 v33, v32;
	v33 =	vld [tilespmem:s23+$0x4700];
	v55, _, _ =	vpop (xrf2);
	(xrf2) =	vadd.scan.msk.f32 $0xffff, v48  }
0x78: {  	v31 =	vadd.f32 v61, v60;
	v36 =	vadd.f32 v29, v28;
	v40 =	vbroadcast v47, $0xF;
	v27, _, _ =	vpop (xrf2);
	(xrf2) =	vadd.scan.msk.f32 $0xffff, v52  }
0x79: {  	v37 =	vbroadcast v43, $0xF;
	v5 =	vsel vm3, v6, v34;
	v61 =	vmul.f32 v58, v58;
	v62, _, _ =	vpop (xrf2);
	(xrf2) =	vadd.scan.msk.f32 $0xffff, v56  }
0x7a: {  	v41 =	vbroadcast v51, $0xF;
	v43 =	vbroadcast v55, $0xF;
	v4 =	vsel vm3, v4, v40;
	v40 =	vld [tilespmem:s23+$0x4710];
	v30, _, _ =	vpop (xrf2);
	(xrf2) =	vadd.scan.msk.f32 $0xffff, v59  }
0x7b: {  	v3 =	vsel vm3, v3, v37;
	v44 =	vbroadcast v27, $0xF;
	v27 =	vld [tilespmem:s23+$0x8710];
	v46 =	vbroadcast v62, $0xF;
	v35, _, _ =	vpop (xrf2);
	(xrf2) =	vadd.scan.msk.f32 $0xffff, v63  }
0x7c: {  	v1 =	vsel vm4, v1, v41;
	v28 =	vmul.f32 v33, v33;
	v34 =	vmul.f32 v33, v22;
	v38, _, _ =	vpop (xrf2);
	(xrf2) =	vadd.scan.msk.f32 $0xffff, v31  }
0x7d: {  	v0 =	vsel vm4, v0, v43;
	v11 =	vmul.f32 v33, v58;
	v48 =	vbroadcast v30, $0xF;
	v42, _, _ =	vpop (xrf2)  }
0x7e: {  	v2 =	vsel vm4, v2, v44;
	v44 =	vld [tilespmem:s23+$0x720];
	v50 =	vbroadcast v35, $0xF;
	v51 =	vbroadcast v38, $0xF;
	v45, _, _ =	vpop (xrf2)  }
0x7f: {  	v60 =	vld [tilespmem:s23+$0x8720];
	v5 =	vsel vm4, v5, v46;
	v29 =	vmul.f32 v40, v40;
	v35 =	vmul.f32 v40, v24;
	v47, _, _ =	vpop (xrf2)  }
0x80: {  	v63 =	vld [tilespmem:s23+$0x8730];
	v3 =	vsel vm4, v3, v48;
	v53 =	vbroadcast v42, $0xF;
	v62 =	vmul.f32 v27, v27;
	v49, _, _ =	vpop (xrf2)  }
0x81: {  	v4 =	vsel vm4, v4, v50;
	v9 =	vmul.f32 v40, v27;
	v54 =	vbroadcast v45, $0xF;
	v52, _, _ =	vpop (xrf2)  }
0x82: {  	(xrf2) =	vadd.scan.msk.f32 $0xffff, v36;
	v1 =	vsel vm5, v1, v51;
	v16 =	vadd.f32 v29, v28;
	v48 =	vadd.f32 v35, v34;
	v55, _, _ =	vpop (xrf2)  }
0x83: {  	v56 =	vbroadcast v47, $0xF;
	v0 =	vsel vm5, v0, v53;
	v50 =	vmul.f32 v44, v44;
	v57, _, _ =	vpop (xrf2)  }
0x84: {  	v34 =	vld [tilespmem:s23+$0x4750];
	v12 =	vadd.f32 v62, v61;
	v53 =	vmul.f32 v60, v60;
	v13 =	vmul.f32 v60, v44;
	v26, _, _ =	vpop (xrf2)  }
0x85: {  	(xrf2) =	vadd.scan.msk.f32 $0xffff, v39;
	v23 =	vsel vm5, v2, v54;
	v25 =	vbroadcast v49, $0xF;
	v54 =	vmul.f32 v63, v63;
	v32, _, _ =	vpop (xrf2)  }
0x86: {  	v47 =	vld [tilespmem:s23+$0x730];
	v9 =	vadd.f32 v9, v11;
	v30 =	vbroadcast v52, $0xF;
	v31 =	vbroadcast v55, $0xF;
	v39, _, _ =	vpop (xrf2)  }
0x87: {  	v17 =	vld [tilespmem:s23+$0x770];
	v6 =	vsel vm5, v5, v56;
	v37 =	vbroadcast v57, $0xF;
	v45 =	vbroadcast v39, $0xF  }
0x88: {  	v36 =	vsel vm5, v3, v25;
	v41 =	vsel vm5, v4, v30;
	v30 =	vld [tilespmem:s23+$0x4720];
	v38 =	vbroadcast v26, $0xF  }
0x89: {  	v62 =	vmul.f32 v34, v34;
	v2 =	vsel vm6, v0, v37;
	v0 =	vsel vm6, v36, v45;
	v36 =	vld [tilespmem:s23+$0x4730]  }
0x8a: {  	v14 =	vld [tilespmem:s23+$0x750];
	v37 =	vmul.f32 v58, v22;
	v3 =	vsel vm6, v23, v38;
	v38 =	vmul.f32 v27, v24  }
0x8b: {  	v25 =	vld [tilespmem:s23+$0x760];
	v5 =	vsel vm6, v1, v31;
	(xrf2) =	vadd.scan.msk.f32 $0xffff, v12;
	v51 =	vmul.f32 v47, v47;
	v31 =	vadd.f32 v54, v53  }
0x8c: {  	v52 =	vld [tilespmem:s23+$0x8740];
	v8 =	vmul.f32 v63, v47;
	v42 =	vbroadcast v32, $0xF;
	(xrf2) =	vadd.scan.msk.f32 $0xffff, v16;
	v43, _, _ =	vpop (xrf2);
	v49 =	vadd.f32 v38, v37  }
0x8d: {  	v39 =	vld [tilespmem:s23+$0x740];
	(xrf2) =	vadd.scan.msk.f32 $0xffff, v48;
	v56 =	vadd.f32 v51, v50;
	v51 =	vmul.f32 v17, v17;
	v59 =	vbroadcast v43, $0xF  }
0x8e: {  	v55 =	vld [tilespmem:s23+$0x8750];
	v4 =	vsel vm6, v6, v42;
	v57 =	vmul.f32 v30, v30;
	(xrf2) =	vadd.scan.msk.f32 $0xffff, v49;
	v58 =	vmul.f32 v36, v36  }
0x8f: {  	v46, _, _ =	vpop (xrf2);
	v32 =	vmul.f32 v30, v44;
	v1 =	vsel vm6, v41, v59;
	v59 =	vld [tilespmem:s23+$0x4740];
	(xrf2) =	vadd.scan.msk.f32 $0xffff, v9;
	v33 =	vmul.f32 v36, v47  }
0x90: {  	v50 =	vmul.f32 v25, v25;
	v6 =	vbroadcast v46, $0xF;
	(xrf2) =	vadd.scan.msk.f32 $0xffff, v56;
	v40 =	vadd.f32 v58, v57  }
0x91: {  	v28 =	vld [tilespmem:s23+$0x4770];
	v7 =	vmul.f32 v30, v60;
	(xrf2) =	vadd.scan.msk.f32 $0xffff, v31;
	v42 =	vmul.f32 v36, v63;
	v41 =	vadd.f32 v33, v32  }
0x92: {  	v8 =	vadd.f32 v8, v13;
	v48 =	vld [tilespmem:s23+$0x8770];
	v44 =	vmul.f32 v14, v14;
	v43 =	vmul.f32 v39, v39;
	(xrf2) =	vadd.scan.msk.f32 $0xffff, v40  }
0x93: {  	v45 =	vld [tilespmem:s23+$0x8760];
	v46 =	vmul.f32 v52, v52;
	v47 =	vmul.f32 v55, v55;
	v7 =	vadd.f32 v42, v7;
	(xrf2) =	vadd.scan.msk.f32 $0xffff, v41  }
0x94: {  	v29 =	vld [tilespmem:s23+$0x8790];
	v37 =	vmul.f32 v34, v14;
	v60 =	vadd.f32 v44, v43;
	v61 =	vmul.f32 v59, v59;
	(xrf2) =	vadd.scan.msk.f32 $0xffff, v8  }
0x95: {  	v14 =	vmul.f32 v55, v14;
	v63 =	vld [tilespmem:s23+$0x4760];
	v9, _, _ =	vpop (xrf2);
	v36 =	vmul.f32 v59, v39;
	v35 =	vadd.f32 v47, v46;
	(xrf2) =	vadd.scan.msk.f32 $0xffff, v7  }
0x96: {  	v27 =	vld [tilespmem:s23+$0x7B0];
	v30 =	vmul.f32 v28, v28;
	v39 =	vmul.f32 v52, v39;
	v10, _, _ =	vpop (xrf2);
	v38 =	vadd.f32 v62, v61;
	(xrf2) =	vadd.scan.msk.f32 $0xffff, v60  }
0x97: {  	v43 =	vld [tilespmem:s23+$0x790];
	v18 =	vmul.f32 v59, v52;
	v42 =	vmul.f32 v34, v55;
	v11, _, _ =	vpop (xrf2);
	v41 =	vadd.f32 v37, v36;
	(xrf2) =	vadd.scan.msk.f32 $0xffff, v35  }
0x98: {  	v26 =	vmul.f32 v28, v48;
	v54 =	vmul.f32 v45, v45;
	v31 =	vld [tilespmem:s23+$0x4780];
	v49 =	vadd.f32 v14, v39;
	v12, _, _ =	vpop (xrf2);
	(xrf2) =	vadd.scan.msk.f32 $0xffff, v38  }
0x99: {  	v55 =	vmul.f32 v48, v48;
	v32 =	vmul.f32 v28, v17;
	v40 =	vld [tilespmem:s23+$0x780];
	v53 =	vadd.f32 v42, v18;
	v15, _, _ =	vpop (xrf2);
	(xrf2) =	vadd.scan.msk.f32 $0xffff, v41  }
0x9a: {  	v56 =	vadd.f32 v51, v50;
	v52 =	vld [tilespmem:s23+$0x8780];
	v17 =	vmul.f32 v48, v17;
	v57 =	vmul.f32 v63, v63;
	v19, _, _ =	vpop (xrf2);
	(xrf2) =	vadd.scan.msk.f32 $0xffff, v49  }
0x9b: {  	v33 =	vld [tilespmem:s23+$0x4790];
	v58 =	vadd.f32 v55, v54;
	v54 =	vmul.f32 v27, v27;
	v59 =	vmul.f32 v63, v25;
	v21, _, _ =	vpop (xrf2);
	(xrf2) =	vadd.scan.msk.f32 $0xffff, v53  }
0x9c: {  	v25 =	vmul.f32 v45, v25;
	v13 =	vmul.f32 v63, v45;
	v14 =	vadd.f32 v30, v57;
	v16, _, _ =	vpop (xrf2);
	(xrf2) =	vadd.scan.msk.f32 $0xffff, v56  }
0x9d: {  	v62 =	vmul.f32 v43, v43;
	v63 =	vld [tilespmem:s23+$0x87A0];
	v45 =	vmul.f32 v29, v29;
	v24 =	vadd.f32 v32, v59;
	v18, _, _ =	vpop (xrf2);
	(xrf2) =	vadd.scan.msk.f32 $0xffff, v58  }
0x9e: {  	v36 =	vld [tilespmem:s23+$0x47A0];
	v13 =	vadd.f32 v26, v13;
	v60 =	vadd.f32 v17, v25;
	v61 =	vmul.f32 v40, v40;
	v8, _, _ =	vpop (xrf2);
	(xrf2) =	vadd.scan.msk.f32 $0xffff, v14  }
0x9f: {  	v47 =	vmul.f32 v31, v31;
	v44 =	vmul.f32 v52, v52;
	v30 =	vld [tilespmem:s23+$0x7A0];
	v7, _, _ =	vpop (xrf2);
	(xrf2) =	vadd.scan.msk.f32 $0xffff, v24  }
0xa0: {  	v34 =	vld [tilespmem:s23+$0x87B0];
	v20 =	vmul.f32 v29, v43;
	v48 =	vmul.f32 v33, v33;
	v46 =	vadd.f32 v62, v61;
	v35, _, _ =	vpop (xrf2);
	(xrf2) =	vadd.scan.msk.f32 $0xffff, v60  }
0xa1: {  	v50 =	vmul.f32 v33, v43;
	v38 =	vld [tilespmem:s23+$0x47B0];
	v49 =	vmul.f32 v31, v40;
	v24 =	vadd.f32 v45, v44;
	v37, _, _ =	vpop (xrf2);
	(xrf2) =	vadd.scan.msk.f32 $0xffff, v13  }
0xa2: {  	v39 =	vld [tilespmem:s23+$0x7C0];
	v22 =	vmul.f32 v31, v52;
	v25 =	vadd.f32 v48, v47;
	v23 =	vmul.f32 v52, v40;
	v13, _, _ =	vpop (xrf2);
	(xrf2) =	vadd.scan.msk.f32 $0xffff, v46  }
0xa3: {  	v42 =	vld [tilespmem:s23+$0x47C0];
	v52 =	vmul.f32 v33, v29;
	v55 =	vmul.f32 v63, v63;
	v51 =	vadd.f32 v50, v49;
	v14, _, _ =	vpop (xrf2);
	(xrf2) =	vadd.scan.msk.f32 $0xffff, v24  }
0xa4: {  	v29 =	vld [tilespmem:s23+$0x7D0];
	v23 =	vadd.f32 v20, v23;
	v61 =	vmul.f32 v36, v30;
	v53 =	vmul.f32 v30, v30;
	v17, _, _ =	vpop (xrf2);
	(xrf2) =	vadd.scan.msk.f32 $0xffff, v25  }
0xa5: {  	v33 =	vld [tilespmem:s23+$0x87C0];
	v22 =	vadd.f32 v52, v22;
	v30 =	vmul.f32 v63, v30;
	v56 =	vmul.f32 v34, v34;
	v20, _, _ =	vpop (xrf2);
	(xrf2) =	vadd.scan.msk.f32 $0xffff, v51  }
0xa6: {  	v40 =	vld [tilespmem:s23+$0x87D0];
	v57 =	vadd.f32 v54, v53;
	v58 =	vmul.f32 v36, v36;
	v59 =	vmul.f32 v38, v38;
	v41, _, _ =	vpop (xrf2);
	(xrf2) =	vadd.scan.msk.f32 $0xffff, v23  }
0xa7: {  	v62 =	vmul.f32 v38, v27;
	v27 =	vmul.f32 v34, v27;
	v44 =	vld [tilespmem:s23+$0x47D0];
	v60 =	vadd.f32 v56, v55;
	v43, _, _ =	vpop (xrf2);
	(xrf2) =	vadd.scan.msk.f32 $0xffff, v22  }
0xa8: {  	v9 =	vbroadcast v9, $0xF;
	v32 =	vmul.f32 v36, v63;
	v25 =	vadd.f32 v59, v58;
	v28, _, _ =	vpop (xrf2);
	(xrf2) =	vadd.scan.msk.f32 $0xffff, v57  }
0xa9: {  	v34 =	vmul.f32 v38, v34;
	v26 =	vadd.f32 v62, v61;
	v30 =	vadd.f32 v27, v30;
	v27 =	vld [tilespmem:s23+$0x7F0];
	v31, _, _ =	vpop (xrf2);
	(xrf2) =	vadd.scan.msk.f32 $0xffff, v60  }
0xaa: {  	v5 =	vsel vm7, v5, v6;
	v63 =	vmul.f32 v39, v39;
	v48 =	vmul.f32 v29, v29;
	v24 =	vld [tilespmem:s23+$0x7E0];
	v23, _, _ =	vpop (xrf2);
	(xrf2) =	vadd.scan.msk.f32 $0xffff, v25  }
0xab: {  	v50 =	vmul.f32 v33, v33;
	v49 =	vadd.f32 v34, v32;
	v51 =	vmul.f32 v40, v40;
	v25 =	vld [tilespmem:s23+$0x87E0];
	v22, _, _ =	vpop (xrf2);
	(xrf2) =	vadd.scan.msk.f32 $0xffff, v26  }
0xac: {  	v52 =	vmul.f32 v42, v42;
	v36 =	vadd.f32 v48, v63;
	v46 =	vmul.f32 v44, v44;
	v45, _, _ =	vpop (xrf2);
	(xrf2) =	vadd.scan.msk.f32 $0xffff, v30;
	v30 =	vld [tilespmem:s23+$0x87F0]  }
0xad: {  	v53 =	vmul.f32 v42, v39;
	v48 =	vmul.f32 v44, v29;
	v32 =	vadd.f32 v51, v50;
	v47, _, _ =	vpop (xrf2);
	(xrf2) =	vadd.scan.msk.f32 $0xffff, v49  }
0xae: {  	v55 =	vmul.f32 v33, v39;
	v56 =	vmul.f32 v40, v29;
	v54 =	vadd.f32 v46, v52;
	v26, _, _ =	vpop (xrf2);
	(xrf2) =	vadd.scan.msk.f32 $0xffff, v36  }
0xaf: {  	v42 =	vmul.f32 v42, v33;
	v40 =	vmul.f32 v44, v40;
	v34 =	vadd.f32 v48, v53;
	v29, _, _ =	vpop (xrf2);
	(xrf2) =	vadd.scan.msk.f32 $0xffff, v32  }
0xb0: {  	v59 =	vmul.f32 v27, v27;
	v57 =	vadd.f32 v56, v55;
	v58 =	vmul.f32 v24, v24;
	v33, _, _ =	vpop (xrf2);
	(xrf2) =	vadd.scan.msk.f32 $0xffff, v54  }
0xb1: {  	v60 =	vadd.f32 v40, v42;
	v61 =	vmul.f32 v25, v25;
	v32, _, _ =	vpop (xrf2);
	(xrf2) =	vadd.scan.msk.f32 $0xffff, v34;
	v62 =	vmul.f32 v30, v30  }
0xb2: {  	v10 =	vbroadcast v10, $0xF;
	v11 =	vbroadcast v11, $0xF;
	v48 =	vadd.f32 v59, v58;
	v63, _, _ =	vpop (xrf2);
	(xrf2) =	vadd.scan.msk.f32 $0xffff, v57  }
0xb3: {  	v9 =	vsel vm7, v2, v9;
	v16 =	vbroadcast v16, $0xF;
	v49, _, _ =	vpop (xrf2);
	(xrf2) =	vadd.scan.msk.f32 $0xffff, v60;
	v50 =	vadd.f32 v62, v61  }
0xb4: {  	v3 =	vsel vm7, v3, v10;
	v18 =	vbroadcast v18, $0xF;
	v8 =	vbroadcast v8, $0xF;
	v2, _, _ =	vpop (xrf2);
	(xrf2) =	vadd.scan.msk.f32 $0xffff, v48  }
0xb5: {  	v4 =	vsel vm7, v4, v11;
	v52 =	vbroadcast v15, $0xF;
	v53 =	vbroadcast v19, $0xF;
	v15, _, _ =	vpop (xrf2);
	(xrf2) =	vadd.scan.msk.f32 $0xffff, v50  }
0xb6: {  	v3 =	vsel vm8, v3, v16;
	v7 =	vbroadcast v7, $0xF;
	v55 =	vbroadcast v35, $0xF;
	v19, _, _ =	vpop (xrf2)  }
0xb7: {  	v20 =	vbroadcast v20, $0xF;
	v5 =	vsel vm8, v5, v53;
	v58 =	vbroadcast v41, $0xF;
	v34, _, _ =	vpop (xrf2)  }
0xb8: {  	v51 =	vbroadcast v12, $0xF;
	v5 =	vsel vm9, v5, v55;
	v54 =	vbroadcast v21, $0xF;
	v57, _, _ =	vpop (xrf2)  }
0xb9: {  	v56 =	vbroadcast v37, $0xF;
	v5 =	vsel vm10, v5, v58;
	v60 =	vbroadcast v43, $0xF;
	v59, _, _ =	vpop (xrf2)  }
0xba: {  	v9 =	vsel vm8, v9, v54;
	v61 =	vbroadcast v45, $0xF;
	v62 =	vbroadcast v47, $0xF;
	v35, _, _ =	vpop (xrf2)  }
0xbb: {  	v9 =	vsel vm9, v9, v56;
	v63 =	vbroadcast v63, $0xF;
	v6 =	vbroadcast v49, $0xF;
	v36, _, _ =	vpop (xrf2)  }
0xbc: {  	v9 =	vsel vm10, v9, v60;
	v5 =	vsel vm11, v5, v61;
	v40 =	vbroadcast v57, $0xF;
	v12, _, _ =	vpop (xrf2)  }
0xbd: {  	v9 =	vsel vm11, v9, v62;
	v5 =	vsel vm12, v5, v63;
	v41 =	vbroadcast v59, $0xF;
	v21, _, _ =	vpop (xrf2)  }
0xbe: {  	v53 =	vbroadcast v14, $0xF;
	v6 =	vsel vm12, v9, v6;
	v5 =	vsel vm13, v5, v40;
	v42, _, _ =	vpop (xrf2)  }
0xbf: {  	v0 =	vsel vm7, v0, v51;
	v6 =	vsel vm13, v6, v41;
	v5 =	vsel vm14, v5, v42;
	v43, _, _ =	vpop (xrf2)  }
0xc0: {  	v28 =	vbroadcast v28, $0xF;
	v6 =	vsel vm14, v6, v43;
	v44 =	vmax.f32 v5, $1.000000020e-24  }
0xc1: {  	v55 =	vbroadcast v17, $0xF;
	v45 =	vshrl.u32 v44, $0x1;
	v46 =	vmax.f32 v6, $1.000000020e-24  }
0xc2: {  	v51 =	vld [tilespmem:s23+$0x47F0];
	v9 =	vmul.f32 $5.000000000e-01, v44;
	v47 =	vshrl.u32 v46, $0x1;
	v11 =	vmul.f32 $5.000000000e-01, v46  }
0xc3: {  	v31 =	vbroadcast v31, $0xF;
	v10 =	vsub.s32 $0x5F3759DF, v45;
	v16 =	vsub.s32 $0x5F3759DF, v47  }
0xc4: {  	v1 =	vsel vm7, v1, v52;
	v49 =	vmul.f32 v10, v9;
	v52 =	vmul.f32 v16, v11  }
0xc5: {  	v23 =	vbroadcast v23, $0xF;
	v38 =	vmul.f32 v25, v24  }
0xc6: {  	v48 =	vld [tilespmem:s23+$0x47E0];
	v54 =	vmul.f32 v10, v49;
	v56 =	vmul.f32 v16, v52  }
0xc7: {  	v4 =	vsel vm8, v4, v18;
	v50 =	vbroadcast v13, $0xF;
	v13 =	vmul.f32 v51, v30  }
0xc8: {  	v2 =	vbroadcast v2, $0xF;
	v14 =	vsub.f32 $1.500000000e+00, v54;
	v17 =	vsub.f32 $1.500000000e+00, v56  }
0xc9: {  	v1 =	vsel vm8, v1, v7;
	v62 =	vmul.f32 v51, v27;
	v27 =	vmul.f32 v30, v27  }
0xca: {  	v0 =	vsel vm8, v0, v8;
	v58 =	vmul.f32 v10, v14;
	v61 =	vmul.f32 v16, v17  }
0xcb: {  	v4 =	vsel vm9, v4, v53;
	v57 =	vmul.f32 v48, v48;
	v59 =	vmul.f32 v51, v51  }
0xcc: {  	v1 =	vsel vm9, v1, v20;
	v63 =	vmul.f32 v58, v9;
	v39 =	vmul.f32 v61, v11  }
0xcd: {  	v3 =	vsel vm9, v3, v50;
	v50 =	vbroadcast v19, $0xF;
	v60 =	vmul.f32 v48, v24  }
0xce: {  	v10 =	vadd.f32 v59, v57;
	v17 =	vmul.f32 v63, v58;
	v40 =	vmul.f32 v39, v61  }
0xcf: {  	v20 =	vadd.f32 v27, v38;
	v8 =	vadd.f32 v62, v60;
	v41 =	vmul.f32 v48, v25  }
0xd0: {  	v51 =	vbroadcast v34, $0xF;
	(xrf2) =	vadd.scan.msk.f32 $0xffff, v10;
	v17 =	vsub.f32 $1.500000000e+00, v17;
	v16 =	vsub.f32 $1.500000000e+00, v40  }
0xd1: {  	v48 =	vbroadcast v32, $0xF;
	v12 =	vbroadcast v12, $0xF;
	v10 =	vadd.f32 v13, v41;
	(xrf2) =	vadd.scan.msk.f32 $0xffff, v8  }
0xd2: {  	v0 =	vsel vm9, v0, v55;
	(xrf2) =	vadd.scan.msk.f32 $0xffff, v20;
	v7 =	vmul.f32 v17, v58;
	v43 =	vmul.f32 v16, v61  }
0xd3: {  	v4 =	vsel vm10, v4, v31;
	v42 =	vbroadcast v22, $0xF;
	v44 =	vbroadcast v26, $0xF;
	(xrf2) =	vadd.scan.msk.f32 $0xffff, v10  }
0xd4: {  	v0 =	vsel vm10, v0, v23;
	v9 =	vmul.f32 v7, v9;
	v47 =	vmul.f32 v43, v11  }
0xd5: {  	v3 =	vsel vm10, v3, v28;
	v45 =	vbroadcast v29, $0xF;
	v46 =	vbroadcast v33, $0xF  }
0xd6: {  	v1 =	vsel vm10, v1, v42;
	v9 =	vmul.f32 v9, v7;
	v10 =	vmul.f32 v47, v43  }
0xd7: {  	v1 =	vsel vm11, v1, v48;
	v4 =	vsel vm11, v4, v45;
	v0 =	vsel vm11, v0, v46  }
0xd8: {  	v49 =	vbroadcast v15, $0xF;
	v9 =	vsub.f32 $1.500000000e+00, v9;
	v10 =	vsub.f32 $1.500000000e+00, v10  }
0xd9: {  	v0 =	vsel vm12, v0, v50;
	v52 =	vbroadcast v36, $0xF;
	v57 =	vbroadcast v21, $0xF  }
0xda: {  	v4 =	vsel vm12, v4, v49;
	v53, _, _ =	vpop (xrf2);
	v7 =	vmul.f32 v9, v7;
	v54 =	vmul.f32 v10, v43  }
0xdb: {  	v1 =	vsel vm12, v1, v51;
	v0 =	vsel vm13, v0, v12;
	v4 =	vsel vm13, v4, v52;
	v55, _, _ =	vpop (xrf2)  }
0xdc: {  	v1 =	vsel vm13, v1, v57;
	v56, _, _ =	vpop (xrf2);
	v4 =	vsel vm14, v4, v55;
	v58 =	vmul.f32 v54, v7  }
0xdd: {  	v0 =	vsel vm14, v0, v56;
	v59, _, _ =	vpop (xrf2);
	v5 =	vmul.f32 v7, v5;
	v4 =	vmul.f32 v7, v4  }
0xde: {  	v1 =	vsel vm14, v1, v59;
	v6 =	vmul.f32 v54, v6;
	v0 =	vmul.f32 v58, v0  }
0xdf: {  	v60 =	vbroadcast v35, $0xF;
	v3 =	vsel vm11, v3, v44;
	v1 =	vmul.f32 v54, v1  }
0xe0: {  	v5 =	vmul.f32 v5, v7;
	v6 =	vmul.f32 v6, v54;
	v0 =	vsub.f32 v4, v0  }
0xe1: {  	v2 =	vsel vm12, v3, v2  }
0xe2: {  	v2 =	vsel vm13, v2, v60;
	v61 =	vadd.f32 v6, v5;
	v0 =	vsub.f32 v0, v1  }
0xe3: {  	v2 =	vsel vm14, v2, v53  }
0xe4: {  	v1 =	vadd.f32 v61, v2;
	v0 =	vadd.f32 v0, v0;
	_ =	sdelay $0x1  }
0xe5: {  	v0 =	vadd.f32 v0, v1;
	_ =	sdelay $0x1  }
0xe6: {  	v1 =	vmax.f32 v0, $1.000000000e-30  }
0xe7: {  	v62 =	vshrl.u32 v1, $0x1;
	v1 =	vmul.f32 $5.000000000e-01, v1  }
0xe8: {  	v2 =	vsub.s32 $0x5F3759DF, v62  }
0xe9: {  	v63 =	vmul.f32 v2, v1;
	_ =	sdelay $0x1  }
0xea: {  	v3 =	vmul.f32 v2, v63;
	_ =	sdelay $0x1  }
0xeb: {  	v3 =	vsub.f32 $1.500000000e+00, v3;
	_ =	sdelay $0x1  }
0xec: {  	v2 =	vmul.f32 v2, v3;
	_ =	sdelay $0x1  }
0xed: {  	v3 =	vmul.f32 v2, v1;
	_ =	sdelay $0x1  }
0xee: {  	v3 =	vmul.f32 v3, v2;
	_ =	sdelay $0x1  }
0xef: {  	v3 =	vsub.f32 $1.500000000e+00, v3;
	_ =	sdelay $0x1  }
0xf0: {  	v2 =	vmul.f32 v3, v2;
	_ =	sdelay $0x1  }
0xf1: {  	v1 =	vmul.f32 v2, v1;
	_ =	sdelay $0x1  }
0xf2: {  	v1 =	vmul.f32 v1, v2;
	_ =	sdelay $0x1  }
0xf3: {  	v1 =	vsub.f32 $1.500000000e+00, v1;
	_ =	sdelay $0x1  }
0xf4: {  	v1 =	vmul.f32 v1, v2  }
0xf5: {  	p0 =	sne.s32 s22, $0xF800;
	v0 =	vmax.f32 v0, $0.0e+00  }
.Ltmp0:
0xf6: {  	v0 =	vmul.f32 v1, v0;
	(pc) =	sbr.rel @p0 .LBB2_2-.Ltmp0, $3  }
0xf7: {  	_ = 	snop  }
0xf8: {  	v0 =	vsub.f32 $0.0e+00, v0;
	_ =	sdelay $0x1  }
0xf9: {  	s22 =	sadd.s32 $0x800, s22;
	[tilespmem:s21+$0x0] =	vst v0;
	s21 =	sadd.s32 $0x10, s21  }
0xfa: {  	s20 =	sadd.s32 $0x1, s20  }
0xfb: {  	p0 =	sne.s32 s20, s9  }
.Ltmp1:
0xfc: {  	_ = 	snop;
	(pc) =	sbr.rel @p0 .LBB2_1-.Ltmp1, $4  }
0xfd: {  	[hbm4b:s8+s2] =	stream.linear.scatter [tilespmem:s19], [sflag:$0x4], $0x200, $0x38;
	[tilespmem:$0xC800] =	vst v63  }
0xfe: {  	_ =	swait.ge [sflag:s10], $0x200  }
0xff: {  	[sflag:s10] =	ssyncset.done $0x0  }
0x100: {  	[sflag:s10] =	ssyncadd.s32 $0xFFFFFE00  }
0x101: {  	_ =	sfence.sel $0x180000  }
0x102: {  	[bflag:$0x0] =	sbarrier.arrive $0xFFFF  }
0x103: {  	p0 =	sne.s32 s1, $0x0;
	_ =	strace $0x90000047  }
0x104: {  	s0 =	sadd.s32 @!p0 $0x100000, s0;
	[bflag:$0x2] =	sbarrier.arrive $0xFFFF  }
0x105: {  	[sflag:s0] =	ssyncadd.tile.s32 @!p0 $0x1;
	_ =	shalt  }
.Lfunc_end2:
_tile_overlayer_lowered:
.L_overlay_start_2:
0x106: {  	(tag) =	ssettag $0x2  }
0x107: {  	s0 =	rddreg [dreg:$0x0];
	s2 =	stileid.u32  }
0x108: {  	s1 =	rddreg [dreg:$0x1];
	p0 =	sne.s32 s2, $0x0  }
0x109: {  	s3 =	rddreg [dreg:$0x2];
	[bflag:$0x3] =	sbarrier.arrive $0xFFFF;
	s2 =	simm.s32 @!p0 $0x1C04  }
0x10a: {  	[timem:s3], [sflag:s2] =	dma.local @!p0 [hbm:s0], s1  }
0x10b: {  	s0 =	simm.s32 @!p0 $0x4  }
0x10c: {  	_ =	swait.ge @!p0 [sflag:s0], s1  }
0x10d: {  	s1 =	ssub.s32 @!p0 $0x0, s1;
	[sflag:s0] =	ssyncset.done @!p0 $0x0  }
0x10e: {  	[sflag:s0] =	ssyncadd.s32 @!p0 s1  }
0x10f: {  	[bflag:$0x3] =	sbarrier.arrive $0xFFFF  }
0x110: {  	_ =	shalt  }

</sc_bundles>
